<compile_context>
chip_gen: v7x
topology: tpu7x:2x2x1
jax: 0.10.2.dev20260603
libtpu: 0.0.44.dev20260713+nightly
codegen_flags: <defaults>
</compile_context>

<pallas_src>
import functools

import jax
import jax.numpy as jnp
import numpy as np
from jax import lax
from jax.experimental import pallas as pl
from jax.experimental.pallas import tpu as pltpu
from jax.experimental.pallas import tpu_sc as plsc

K = 8192
HI = 64
LO = 128
BIN_W = 1.0 / K
NW = 32
CHUNK = 8192
UNROLL = 8


def _bin_kernel(x_ref, t_ref, ids_ref):
    x = x_ref[0]
    labels = t_ref[0]
    m = jnp.max(x, axis=0, keepdims=True)
    ex = jnp.exp(x - m)
    p = ex / jnp.sum(ex, axis=0, keepdims=True)
    cls = jax.lax.broadcasted_iota(jnp.int32, x.shape, 0)
    fg = cls == labels[None]
    err = jnp.where(fg, 1.0 - p, p)
    bin_ = jnp.clip((err * K).astype(jnp.int32), 0, K - 1)
    rbin = (K - 1) - bin_
    ids = rbin + fg.astype(jnp.int32) * K
    r2 = ids.shape[1] // 2
    packed = ids[:, :r2] | (ids[:, r2:] << 16)
    ids_ref[...] = packed[:, None]


def _sc_hist_kernel(ids_hbm, out_hbm, table0, table1, buf0, buf1, sem0, sem1,
                    *, ntot, nhalf):
    wid = lax.axis_index("s") * 2 + lax.axis_index("c")
    base = jnp.where(wid < 26,
                     (wid // 2) * ntot + (wid % 2) * nhalf,
                     (wid - 13) * ntot)
    npairs = jnp.where(wid < 26, nhalf // (2 * CHUNK), ntot // (2 * CHUNK))

    zeros16 = jnp.zeros((16,), jnp.float32)
    ones16 = jnp.ones((16,), jnp.float32)

    def zero_body(i, c):
        table0[pl.ds(i * 16, 16)] = zeros16
        table1[pl.ds(i * 16, 16)] = zeros16
        return c

    lax.fori_loop(0, (2 * K) // 16, zero_body, 0)

    def copy_op(j, buf, sem):
        return pltpu.make_async_copy(
            ids_hbm.at[pl.ds(base + j * CHUNK, CHUNK)], buf, sem)

    def scatter(buf):
        def scat_body(i, c2):
            for u in range(UNROLL):
                v = buf[pl.ds(i * (16 * UNROLL) + u * 16, 16)]
                plsc.addupdate_scatter(table0, [v & 0xFFFF], ones16)
                plsc.addupdate_scatter(
                    table1, [lax.shift_right_logical(v, 16)], ones16)
            return c2

        lax.fori_loop(0, CHUNK // (16 * UNROLL), scat_body, 0)

    copy_op(0, buf0, sem0).start()

    def pair_body(j2, c):
        j0 = 2 * j2
        copy_op(j0, buf0, sem0).wait()
        copy_op(j0 + 1, buf1, sem1).start()
        scatter(buf0)
        copy_op(j0 + 1, buf1, sem1).wait()

        @pl.when(j2 + 1 < npairs)
        def _():
            copy_op(j0 + 2, buf0, sem0).start()

        scatter(buf1)
        return c

    lax.fori_loop(0, npairs, pair_body, 0)
    pltpu.sync_copy(table0, out_hbm.at[wid, 0])
    pltpu.sync_copy(table1, out_hbm.at[wid, 1])


def _epilogue_kernel(h_ref, r_ref, out_ref):
    H = jax.lax.dot_general(
        r_ref[...], h_ref[...], (((1,), (0,)), ((), ())),
        preferred_element_type=jnp.float32)
    C = H.shape[0]
    bg_h = H[:, :HI, :]
    fg_h = H[:, HI:, :]
    io_r = jax.lax.broadcasted_iota(jnp.int32, (LO, LO), 0)
    io_c = jax.lax.broadcasted_iota(jnp.int32, (LO, LO), 1)
    upper = (io_r <= io_c).astype(jnp.float32)
    st = jnp.concatenate([bg_h, fg_h], axis=0)
    rowcum = jax.lax.dot_general(
        st, upper, (((2,), (0,)), ((), ())),
        preferred_element_type=jnp.float32)
    rowtot = rowcum[:, :, LO - 1]
    io_r2 = jax.lax.broadcasted_iota(jnp.int32, (HI, HI), 0)
    io_c2 = jax.lax.broadcasted_iota(jnp.int32, (HI, HI), 1)
    strict = (io_r2 < io_c2).astype(jnp.float32)
    exc = jax.lax.dot_general(
        rowtot, strict, (((1,), (0,)), ((), ())),
        preferred_element_type=jnp.float32)
    cum = rowcum + exc[:, :, None]
    b_cum = cum[:C]
    f_cum = cum[C:]
    g = f_cum[:, HI - 1, LO - 1]
    gb = g[:, None, None]
    jac = 1.0 - (gb - f_cum) / (gb + b_cum + 1e-6)
    sum_j = jnp.sum(jac, axis=(1, 2))
    j_last = jac[:, HI - 1, LO - 1]
    loss = BIN_W * sum_j - 0.5 * BIN_W * j_last
    present = (g > 0).astype(jnp.float32)
    num = jnp.sum(loss * present)
    den = jnp.maximum(jnp.sum(present), 1.0)
    out_ref[...] = (num / den).reshape(1, 1)


def kernel(inputs, targets):
    bt, c, h, w = inputs.shape
    rows = 16
    nrb = h // rows
    ntot_w = bt * h * w // 2
    nhalf_w = ntot_w // 2

    ids = pl.pallas_call(
        _bin_kernel,
        grid=(bt, nrb),
        in_specs=[
            pl.BlockSpec((1, c, rows, w), lambda b, i: (b, 0, i, 0)),
            pl.BlockSpec((1, rows, w), lambda b, i: (b, i, 0)),
        ],
        out_specs=pl.BlockSpec((c, 1, rows // 2, w), lambda b, i: (0, b, i, 0)),
        out_shape=jax.ShapeDtypeStruct((c, bt, h // 2, w), jnp.int32),
    )(inputs, targets)
    ids_flat = ids.reshape(c * ntot_w)

    mesh = plsc.VectorSubcoreMesh(core_axis_name="c", subcore_axis_name="s")
    sc_hist = pl.kernel(
        functools.partial(_sc_hist_kernel, ntot=ntot_w, nhalf=nhalf_w),
        mesh=mesh,
        out_type=jax.ShapeDtypeStruct((NW, 2, 2 * K), jnp.float32),
        scratch_types=[
            pltpu.VMEM((2 * K,), jnp.float32),
            pltpu.VMEM((2 * K,), jnp.float32),
            pltpu.VMEM((CHUNK,), jnp.int32),
            pltpu.VMEM((CHUNK,), jnp.int32),
            pltpu.SemaphoreType.DMA,
            pltpu.SemaphoreType.DMA,
        ],
        compiler_params=pltpu.CompilerParams(needs_layout_passes=False),
    )
    tables = sc_hist(ids_flat)

    red = np.zeros((c, 2 * NW), np.float32)
    for wid in range(NW):
        cls = wid // 2 if wid < 26 else wid - 13
        red[cls, 2 * wid] = 1.0
        red[cls, 2 * wid + 1] = 1.0
    out = pl.pallas_call(
        _epilogue_kernel,
        in_specs=[
            pl.BlockSpec((2 * NW, 2 * HI, LO), lambda: (0, 0, 0)),
            pl.BlockSpec((c, 2 * NW), lambda: (0, 0)),
        ],
        out_specs=pl.BlockSpec((1, 1), lambda: (0, 0)),
        out_shape=jax.ShapeDtypeStruct((1, 1), jnp.float32),
    )(tables.reshape(2 * NW, 2 * HI, LO), jnp.asarray(red))
    return out[0, 0]

# --- scband reference (transcript-rebuilt; emitter-appended) ---
"""Pipeline reference for scband-lovasz-softmax-loss-35433480192393 (READ-ONLY COPY).

The authoritative reference and input builder live on the scoring server;
editing this copy changes nothing except your own understanding.
"""

import jax, jax.numpy as jnp
import numpy as np


def _lovasz_grad(fg_sorted):
    gts = fg_sorted.sum()
    intersection = gts - jnp.cumsum(fg_sorted)
    union = gts + jnp.cumsum(1.0 - fg_sorted)
    jaccard = 1.0 - intersection / (union + 1e-06)
    jaccard = jnp.concatenate([jaccard[:1], jaccard[1:] - jaccard[:-1]])
    return jaccard


def setup_inputs(seed: int = 0) -> dict:
    key = jax.random.key(seed)
    k1, k2 = jax.random.split(key)
    inputs = jax.random.normal(k1, (4, 19, 384, 384), dtype=jnp.float32)
    targets = jax.random.randint(k2, (4, 384, 384), 0, 19, dtype=jnp.int32)
    return {"inputs": inputs, "targets": targets}


def reference(inputs, targets):
    C = inputs.shape[1]
    probas = jax.nn.softmax(inputs, axis=1)
    probas = jnp.transpose(probas, (0, 2, 3, 1)).reshape(-1, C)
    labels = targets.reshape(-1)
    losses = []
    presents = []
    for c in range(C):
        fg = (labels == c).astype(jnp.float32)
        present = (fg.sum() > 0).astype(jnp.float32)
        class_pred = probas[:, c]
        errors = jnp.abs(fg - class_pred)
        perm = jnp.argsort(-errors)
        errors_sorted = errors[perm]
        fg_sorted = fg[perm]
        grad = _lovasz_grad(fg_sorted)
        losses.append(jnp.dot(errors_sorted, grad))
        presents.append(present)
    losses = jnp.stack(losses)
    presents = jnp.stack(presents)
    return (losses * presents).sum() / jnp.maximum(presents.sum(), 1.0)

if __name__ == "__main__":
    import jax
    _d = setup_inputs()
    print(jax.jit(kernel)(*tuple(_d.values())))

</pallas_src>

<mosaic_0001>
#map = affine_map<(d0, d1) -> (0)>
#map1 = affine_map<(d0, d1) -> (0, 0, 0)>
module attributes {stable_mosaic.version = 14 : i64} {
  func.func @_sc_hist_kernel(%arg0: i32, %arg1: i32, %arg2: memref<5603328xi32, #tpu.memory_space<hbm>>, %arg3: memref<32x2x16384xf32, #tpu.memory_space<hbm>>, %arg4: memref<16384xf32, #tpu.memory_space<vmem>>, %arg5: memref<16384xf32, #tpu.memory_space<vmem>>, %arg6: memref<8192xi32, #tpu.memory_space<vmem>>, %arg7: memref<8192xi32, #tpu.memory_space<vmem>>, %arg8: memref<!tpu.dma_semaphore, #tpu.memory_space<semaphore_mem>>, %arg9: memref<!tpu.dma_semaphore, #tpu.memory_space<semaphore_mem>>) attributes {dimension_semantics = [#tpu.dimension_semantics<core_parallel>, #tpu.dimension_semantics<subcore_parallel>], iteration_bounds = array<i64: 2, 16>, scalar_prefetch = 0 : i64, scratch_operands = 6 : i64, tpu.core_type = #tpu.core_type<sc_vector_subcore>, window_params = [{transform_indices = #map}, {transform_indices = #map1}]} {
    %mul3A = arith.constant 2 : i32
    %mul3A_0 = arith.muli %arg1, %mul3A : i32
    %add3A = arith.addi %mul3A_0, %arg0 : i32
    %lt3A = arith.constant 26 : i32
    %lt3A_1 = arith.cmpi slt, %add3A, %lt3A : i32
    %jit3A = arith.constant 2 : i32
    %div3A = arith.divsi %add3A, %jit3A : i32
    %sign3A = arith.constant 0 : i32
    %sign3A_2 = arith.cmpi sgt, %add3A, %sign3A : i32
    %sign3A_3 = arith.extui %sign3A_2 : i1 to i32
    %sign3A_4 = arith.constant 0 : i32
    %sign3A_5 = arith.cmpi slt, %add3A, %sign3A_4 : i32
    %sign3A_6 = arith.extui %sign3A_5 : i1 to i32
    %sign3A_7 = arith.subi %sign3A_3, %sign3A_6 : i32
    %sign3A_8 = arith.constant 0 : i32
    %sign3A_9 = arith.cmpi sgt, %jit3A, %sign3A_8 : i32
    %sign3A_10 = arith.extui %sign3A_9 : i1 to i32
    %sign3A_11 = arith.constant 0 : i32
    %sign3A_12 = arith.cmpi slt, %jit3A, %sign3A_11 : i32
    %sign3A_13 = arith.extui %sign3A_12 : i1 to i32
    %sign3A_14 = arith.subi %sign3A_10, %sign3A_13 : i32
    %ne3A = arith.cmpi ne, %sign3A_7, %sign3A_14 : i32
    %rem3A = arith.remsi %add3A, %jit3A : i32
    %ne3A_15 = arith.constant 0 : i32
    %ne3A_16 = arith.cmpi ne, %rem3A, %ne3A_15 : i32
    %and3A = arith.andi %ne3A, %ne3A_16 : i1
    %sub3A = arith.constant 1 : i32
    %sub3A_17 = arith.subi %div3A, %sub3A : i32
    %select_n3A = arith.select %and3A, %sub3A_17, %div3A : i32
    %mul3A_18 = arith.constant 294912 : i32
    %mul3A_19 = arith.muli %select_n3A, %mul3A_18 : i32
    %jit3A_20 = arith.constant 2 : i32
    %eq3A = arith.constant 0 : i32
    %eq3A_21 = arith.cmpi eq, %jit3A_20, %eq3A : i32
    %jit3A_22 = arith.constant 1 : i32
    %select_n3A_23 = arith.select %eq3A_21, %jit3A_22, %jit3A_20 : i32
    %rem3A_24 = arith.remsi %add3A, %select_n3A_23 : i32
    %ne3A_25 = arith.constant 0 : i32
    %ne3A_26 = arith.cmpi ne, %rem3A_24, %ne3A_25 : i32
    %lt3A_27 = arith.constant 0 : i32
    %lt3A_28 = arith.cmpi slt, %rem3A_24, %lt3A_27 : i32
    %lt3A_29 = arith.constant 0 : i32
    %lt3A_30 = arith.cmpi slt, %select_n3A_23, %lt3A_29 : i32
    %ne3A_31 = arith.xori %lt3A_28, %lt3A_30 : i1
    %and3A_32 = arith.andi %ne3A_31, %ne3A_26 : i1
    %add3A_33 = arith.addi %rem3A_24, %select_n3A_23 : i32
    %select_n3A_34 = arith.select %and3A_32, %add3A_33, %rem3A_24 : i32
    %mul3A_35 = arith.constant 147456 : i32
    %mul3A_36 = arith.muli %select_n3A_34, %mul3A_35 : i32
    %add3A_37 = arith.addi %mul3A_19, %mul3A_36 : i32
    %sub3A_38 = arith.constant 13 : i32
    %sub3A_39 = arith.subi %add3A, %sub3A_38 : i32
    %mul3A_40 = arith.constant 294912 : i32
    %mul3A_41 = arith.muli %sub3A_39, %mul3A_40 : i32
    %select_n3A_42 = arith.select %lt3A_1, %add3A_37, %mul3A_41 : i32
    %lt3A_43 = arith.constant 26 : i32
    %lt3A_44 = arith.cmpi slt, %add3A, %lt3A_43 : i32
    %jit3A_45 = arith.constant 9 : i32
    %jit3A_46 = arith.constant 18 : i32
    %select_n3A_47 = arith.select %lt3A_44, %jit3A_45, %jit3A_46 : i32
    %broadcast_in_dim3A = arith.constant 0.000000e+00 : f32
    %broadcast_in_dim3A_48 = vector.broadcast %broadcast_in_dim3A : f32 to vector<16xf32>
    %broadcast_in_dim3A_49 = arith.constant 1.000000e+00 : f32
    %broadcast_in_dim3A_50 = vector.broadcast %broadcast_in_dim3A_49 : f32 to vector<16xf32>
    %scan3A = arith.constant 0 : i32
    %scan3A_51 = arith.constant 0 : i32
    %scan3A_52 = arith.constant 1024 : i32
    %scan3A_53 = arith.addi %scan3A_51, %scan3A_52 : i32
    %scan3A_54 = arith.constant 1 : i32
    scf.for %scan3A_69 = %scan3A_51 to %scan3A_53 step %scan3A_54  : i32 {
      %mul3A_70 = arith.constant 16 : i32
      %mul3A_71 = arith.muli %scan3A_69, %mul3A_70 : i32
      %swap3A = arith.index_cast %mul3A_71 : i32 to index
      %swap3A_72 = tpu.vector_load %arg4[%swap3A] {strides = array<i32>} : memref<16384xf32, #tpu.memory_space<vmem>>, vector<16xf32>,
      tpu.vector_store %arg4[%swap3A], %broadcast_in_dim3A_48 {strides = array<i32>} : memref<16384xf32, #tpu.memory_space<vmem>>, vector<16xf32>,
      %mul3A_73 = arith.constant 16 : i32
      %mul3A_74 = arith.muli %scan3A_69, %mul3A_73 : i32
      %swap3A_75 = arith.index_cast %mul3A_74 : i32 to index
      %swap3A_76 = tpu.vector_load %arg5[%swap3A_75] {strides = array<i32>} : memref<16384xf32, #tpu.memory_space<vmem>>, vector<16xf32>,
      tpu.vector_store %arg5[%swap3A_75], %broadcast_in_dim3A_48 {strides = array<i32>} : memref<16384xf32, #tpu.memory_space<vmem>>, vector<16xf32>,
    }
    %scan3A_55 = arith.constant 1024 : i32
    %add3A_56 = arith.constant 0 : i32
    %add3A_57 = arith.addi %select_n3A_42, %add3A_56 : i32
    %dma_start3A = tpu.memref_slice %arg2[%add3A_57] : memref<5603328xi32, #tpu.memory_space<hbm>> -> memref<8192xi32, #tpu.memory_space<hbm>>
    %dma_start3A_58 = tpu.memref_slice %arg2[%add3A_57] : memref<5603328xi32, #tpu.memory_space<hbm>> -> memref<8192xi32, #tpu.memory_space<hbm>>
    tpu.enqueue_dma source(%dma_start3A_58 : memref<8192xi32, #tpu.memory_space<hbm>>) target(%arg6 : memref<8192xi32, #tpu.memory_space<vmem>>) target_semaphore(%arg8 : memref<!tpu.dma_semaphore, #tpu.memory_space<semaphore_mem>>)
    %while3A = arith.constant 0 : i32
    %while3A_59 = arith.constant 0 : i32
    %while3A_60 = arith.subi %select_n3A_47, %while3A_59 : i32
    %while3A_61 = arith.addi %while3A_59, %while3A_60 : i32
    %while3A_62 = arith.constant 1 : i32
    %while3A_63 = arith.divsi %while3A_60, %while3A_62 : i32
    %while3A_64 = arith.muli %while3A_63, %while3A_62 : i32
    %while3A_65 = arith.addi %while3A_59, %while3A_64 : i32
    %while3A_66 = arith.constant 1 : i32
    scf.for %while3A_69 = %while3A_59 to %while3A_65 step %while3A_66  : i32 {
      %mul3A_70 = arith.constant 2 : i32
      %mul3A_71 = arith.muli %mul3A_70, %while3A_69 : i32
      %mul3A_72 = arith.constant 8192 : i32
      %mul3A_73 = arith.muli %mul3A_71, %mul3A_72 : i32
      %add3A_74 = arith.addi %select_n3A_42, %mul3A_73 : i32
      %dma_wait3A = tpu.memref_slice %arg2[%add3A_74] : memref<5603328xi32, #tpu.memory_space<hbm>> -> memref<8192xi32, #tpu.memory_space<hbm>>
      %dma_wait3A_75 = tpu.memref_slice %arg2[%add3A_74] : memref<5603328xi32, #tpu.memory_space<hbm>> -> memref<8192xi32, #tpu.memory_space<hbm>>
      tpu.wait_dma2 semaphore(%arg8 : memref<!tpu.dma_semaphore, #tpu.memory_space<semaphore_mem>>) src(%dma_wait3A_75 : memref<8192xi32, #tpu.memory_space<hbm>>) dst(%arg6 : memref<8192xi32, #tpu.memory_space<vmem>>)
      %add3A_76 = arith.constant 1 : i32
      %add3A_77 = arith.addi %mul3A_71, %add3A_76 : i32
      %mul3A_78 = arith.constant 8192 : i32
      %mul3A_79 = arith.muli %add3A_77, %mul3A_78 : i32
      %add3A_80 = arith.addi %select_n3A_42, %mul3A_79 : i32
      %dma_start3A_81 = tpu.memref_slice %arg2[%add3A_80] : memref<5603328xi32, #tpu.memory_space<hbm>> -> memref<8192xi32, #tpu.memory_space<hbm>>
      %dma_start3A_82 = tpu.memref_slice %arg2[%add3A_80] : memref<5603328xi32, #tpu.memory_space<hbm>> -> memref<8192xi32, #tpu.memory_space<hbm>>
      tpu.enqueue_dma source(%dma_start3A_82 : memref<8192xi32, #tpu.memory_space<hbm>>) target(%arg7 : memref<8192xi32, #tpu.memory_space<vmem>>) target_semaphore(%arg9 : memref<!tpu.dma_semaphore, #tpu.memory_space<semaphore_mem>>)
      %scan3A_83 = arith.constant 0 : i32
      %scan3A_84 = arith.constant 0 : i32
      %scan3A_85 = arith.constant 64 : i32
      %scan3A_86 = arith.addi %scan3A_84, %scan3A_85 : i32
      %scan3A_87 = arith.constant 1 : i32
      scf.for %scan3A_106 = %scan3A_84 to %scan3A_86 step %scan3A_87  : i32 {
        %mul3A_107 = arith.constant 128 : i32
        %mul3A_108 = arith.muli %scan3A_106, %mul3A_107 : i32
        %add3A_109 = arith.constant 0 : i32
        %add3A_110 = arith.addi %mul3A_108, %add3A_109 : i32
        %get3A = arith.index_cast %add3A_110 : i32 to index
        %get3A_111 = tpu.vector_load %arg6[%get3A] {strides = array<i32>} : memref<8192xi32, #tpu.memory_space<vmem>>, vector<16xi32>,
        %and3A_112 = arith.constant 65535 : i32
        %and3A_113 = vector.broadcast %and3A_112 : i32 to vector<16xi32>
        %and3A_114 = arith.andi %get3A_111, %and3A_113 : vector<16xi32>
        tpu.vector_store_idx %arg4[%and3A_114], %broadcast_in_dim3A_50 {add = true} : memref<16384xf32, #tpu.memory_space<vmem>>[vector<16xi32>], vector<16xf32>,
        %shift_right_logical3A = arith.constant 16 : i32
        %shift_right_logical3A_115 = vector.broadcast %shift_right_logical3A : i32 to vector<16xi32>
        %shift_right_logical3A_116 = arith.shrui %get3A_111, %shift_right_logical3A_115 : vector<16xi32>
        tpu.vector_store_idx %arg5[%shift_right_logical3A_116], %broadcast_in_dim3A_50 {add = true} : memref<16384xf32, #tpu.memory_space<vmem>>[vector<16xi32>], vector<16xf32>,
        %mul3A_117 = arith.constant 128 : i32
        %mul3A_118 = arith.muli %scan3A_106, %mul3A_117 : i32
        %add3A_119 = arith.constant 16 : i32
        %add3A_120 = arith.addi %mul3A_118, %add3A_119 : i32
        %get3A_121 = arith.index_cast %add3A_120 : i32 to index
        %get3A_122 = tpu.vector_load %arg6[%get3A_121] {strides = array<i32>} : memref<8192xi32, #tpu.memory_space<vmem>>, vector<16xi32>,
        %and3A_123 = arith.constant 65535 : i32
        %and3A_124 = vector.broadcast %and3A_123 : i32 to vector<16xi32>
        %and3A_125 = arith.andi %get3A_122, %and3A_124 : vector<16xi32>
        tpu.vector_store_idx %arg4[%and3A_125], %broadcast_in_dim3A_50 {add = true} : memref<16384xf32, #tpu.memory_space<vmem>>[vector<16xi32>], vector<16xf32>,
        %shift_right_logical3A_126 = arith.constant 16 : i32
        %shift_right_logical3A_127 = vector.broadcast %shift_right_logical3A_126 : i32 to vector<16xi32>
        %shift_right_logical3A_128 = arith.shrui %get3A_122, %shift_right_logical3A_127 : vector<16xi32>
        tpu.vector_store_idx %arg5[%shift_right_logical3A_128], %broadcast_in_dim3A_50 {add = true} : memref<16384xf32, #tpu.memory_space<vmem>>[vector<16xi32>], vector<16xf32>,
        %mul3A_129 = arith.constant 128 : i32
        %mul3A_130 = arith.muli %scan3A_106, %mul3A_129 : i32
        %add3A_131 = arith.constant 32 : i32
        %add3A_132 = arith.addi %mul3A_130, %add3A_131 : i32
        %get3A_133 = arith.index_cast %add3A_132 : i32 to index
        %get3A_134 = tpu.vector_load %arg6[%get3A_133] {strides = array<i32>} : memref<8192xi32, #tpu.memory_space<vmem>>, vector<16xi32>,
        %and3A_135 = arith.constant 65535 : i32
        %and3A_136 = vector.broadcast %and3A_135 : i32 to vector<16xi32>
        %and3A_137 = arith.andi %get3A_134, %and3A_136 : vector<16xi32>
        tpu.vector_store_idx %arg4[%and3A_137], %broadcast_in_dim3A_50 {add = true} : memref<16384xf32, #tpu.memory_space<vmem>>[vector<16xi32>], vector<16xf32>,
        %shift_right_logical3A_138 = arith.constant 16 : i32
        %shift_right_logical3A_139 = vector.broadcast %shift_right_logical3A_138 : i32 to vector<16xi32>
        %shift_right_logical3A_140 = arith.shrui %get3A_134, %shift_right_logical3A_139 : vector<16xi32>
        tpu.vector_store_idx %arg5[%shift_right_logical3A_140], %broadcast_in_dim3A_50 {add = true} : memref<16384xf32, #tpu.memory_space<vmem>>[vector<16xi32>], vector<16xf32>,
        %mul3A_141 = arith.constant 128 : i32
        %mul3A_142 = arith.muli %scan3A_106, %mul3A_141 : i32
        %add3A_143 = arith.constant 48 : i32
        %add3A_144 = arith.addi %mul3A_142, %add3A_143 : i32
        %get3A_145 = arith.index_cast %add3A_144 : i32 to index
        %get3A_146 = tpu.vector_load %arg6[%get3A_145] {strides = array<i32>} : memref<8192xi32, #tpu.memory_space<vmem>>, vector<16xi32>,
        %and3A_147 = arith.constant 65535 : i32
        %and3A_148 = vector.broadcast %and3A_147 : i32 to vector<16xi32>
        %and3A_149 = arith.andi %get3A_146, %and3A_148 : vector<16xi32>
        tpu.vector_store_idx %arg4[%and3A_149], %broadcast_in_dim3A_50 {add = true} : memref<16384xf32, #tpu.memory_space<vmem>>[vector<16xi32>], vector<16xf32>,
        %shift_right_logical3A_150 = arith.constant 16 : i32
        %shift_right_logical3A_151 = vector.broadcast %shift_right_logical3A_150 : i32 to vector<16xi32>
        %shift_right_logical3A_152 = arith.shrui %get3A_146, %shift_right_logical3A_151 : vector<16xi32>
        tpu.vector_store_idx %arg5[%shift_right_logical3A_152], %broadcast_in_dim3A_50 {add = true} : memref<16384xf32, #tpu.memory_space<vmem>>[vector<16xi32>], vector<16xf32>,
        %mul3A_153 = arith.constant 128 : i32
        %mul3A_154 = arith.muli %scan3A_106, %mul3A_153 : i32
        %add3A_155 = arith.constant 64 : i32
        %add3A_156 = arith.addi %mul3A_154, %add3A_155 : i32
        %get3A_157 = arith.index_cast %add3A_156 : i32 to index
        %get3A_158 = tpu.vector_load %arg6[%get3A_157] {strides = array<i32>} : memref<8192xi32, #tpu.memory_space<vmem>>, vector<16xi32>,
        %and3A_159 = arith.constant 65535 : i32
        %and3A_160 = vector.broadcast %and3A_159 : i32 to vector<16xi32>
        %and3A_161 = arith.andi %get3A_158, %and3A_160 : vector<16xi32>
        tpu.vector_store_idx %arg4[%and3A_161], %broadcast_in_dim3A_50 {add = true} : memref<16384xf32, #tpu.memory_space<vmem>>[vector<16xi32>], vector<16xf32>,
        %shift_right_logical3A_162 = arith.constant 16 : i32
        %shift_right_logical3A_163 = vector.broadcast %shift_right_logical3A_162 : i32 to vector<16xi32>
        %shift_right_logical3A_164 = arith.shrui %get3A_158, %shift_right_logical3A_163 : vector<16xi32>
        tpu.vector_store_idx %arg5[%shift_right_logical3A_164], %broadcast_in_dim3A_50 {add = true} : memref<16384xf32, #tpu.memory_space<vmem>>[vector<16xi32>], vector<16xf32>,
        %mul3A_165 = arith.constant 128 : i32
        %mul3A_166 = arith.muli %scan3A_106, %mul3A_165 : i32
        %add3A_167 = arith.constant 80 : i32
        %add3A_168 = arith.addi %mul3A_166, %add3A_167 : i32
        %get3A_169 = arith.index_cast %add3A_168 : i32 to index
        %get3A_170 = tpu.vector_load %arg6[%get3A_169] {strides = array<i32>} : memref<8192xi32, #tpu.memory_space<vmem>>, vector<16xi32>,
        %and3A_171 = arith.constant 65535 : i32
        %and3A_172 = vector.broadcast %and3A_171 : i32 to vector<16xi32>
        %and3A_173 = arith.andi %get3A_170, %and3A_172 : vector<16xi32>
        tpu.vector_store_idx %arg4[%and3A_173], %broadcast_in_dim3A_50 {add = true} : memref<16384xf32, #tpu.memory_space<vmem>>[vector<16xi32>], vector<16xf32>,
        %shift_right_logical3A_174 = arith.constant 16 : i32
        %shift_right_logical3A_175 = vector.broadcast %shift_right_logical3A_174 : i32 to vector<16xi32>
        %shift_right_logical3A_176 = arith.shrui %get3A_170, %shift_right_logical3A_175 : vector<16xi32>
        tpu.vector_store_idx %arg5[%shift_right_logical3A_176], %broadcast_in_dim3A_50 {add = true} : memref<16384xf32, #tpu.memory_space<vmem>>[vector<16xi32>], vector<16xf32>,
        %mul3A_177 = arith.constant 128 : i32
        %mul3A_178 = arith.muli %scan3A_106, %mul3A_177 : i32
        %add3A_179 = arith.constant 96 : i32
        %add3A_180 = arith.addi %mul3A_178, %add3A_179 : i32
        %get3A_181 = arith.index_cast %add3A_180 : i32 to index
        %get3A_182 = tpu.vector_load %arg6[%get3A_181] {strides = array<i32>} : memref<8192xi32, #tpu.memory_space<vmem>>, vector<16xi32>,
        %and3A_183 = arith.constant 65535 : i32
        %and3A_184 = vector.broadcast %and3A_183 : i32 to vector<16xi32>
        %and3A_185 = arith.andi %get3A_182, %and3A_184 : vector<16xi32>
        tpu.vector_store_idx %arg4[%and3A_185], %broadcast_in_dim3A_50 {add = true} : memref<16384xf32, #tpu.memory_space<vmem>>[vector<16xi32>], vector<16xf32>,
        %shift_right_logical3A_186 = arith.constant 16 : i32
        %shift_right_logical3A_187 = vector.broadcast %shift_right_logical3A_186 : i32 to vector<16xi32>
        %shift_right_logical3A_188 = arith.shrui %get3A_182, %shift_right_logical3A_187 : vector<16xi32>
        tpu.vector_store_idx %arg5[%shift_right_logical3A_188], %broadcast_in_dim3A_50 {add = true} : memref<16384xf32, #tpu.memory_space<vmem>>[vector<16xi32>], vector<16xf32>,
        %mul3A_189 = arith.constant 128 : i32
        %mul3A_190 = arith.muli %scan3A_106, %mul3A_189 : i32
        %add3A_191 = arith.constant 112 : i32
        %add3A_192 = arith.addi %mul3A_190, %add3A_191 : i32
        %get3A_193 = arith.index_cast %add3A_192 : i32 to index
        %get3A_194 = tpu.vector_load %arg6[%get3A_193] {strides = array<i32>} : memref<8192xi32, #tpu.memory_space<vmem>>, vector<16xi32>,
        %and3A_195 = arith.constant 65535 : i32
        %and3A_196 = vector.broadcast %and3A_195 : i32 to vector<16xi32>
        %and3A_197 = arith.andi %get3A_194, %and3A_196 : vector<16xi32>
        tpu.vector_store_idx %arg4[%and3A_197], %broadcast_in_dim3A_50 {add = true} : memref<16384xf32, #tpu.memory_space<vmem>>[vector<16xi32>], vector<16xf32>,
        %shift_right_logical3A_198 = arith.constant 16 : i32
        %shift_right_logical3A_199 = vector.broadcast %shift_right_logical3A_198 : i32 to vector<16xi32>
        %shift_right_logical3A_200 = arith.shrui %get3A_194, %shift_right_logical3A_199 : vector<16xi32>
        tpu.vector_store_idx %arg5[%shift_right_logical3A_200], %broadcast_in_dim3A_50 {add = true} : memref<16384xf32, #tpu.memory_space<vmem>>[vector<16xi32>], vector<16xf32>,
      }
      %scan3A_88 = arith.constant 64 : i32
      %add3A_89 = arith.constant 1 : i32
      %add3A_90 = arith.addi %mul3A_71, %add3A_89 : i32
      %mul3A_91 = arith.constant 8192 : i32
      %mul3A_92 = arith.muli %add3A_90, %mul3A_91 : i32
      %add3A_93 = arith.addi %select_n3A_42, %mul3A_92 : i32
      %dma_wait3A_94 = tpu.memref_slice %arg2[%add3A_93] : memref<5603328xi32, #tpu.memory_space<hbm>> -> memref<8192xi32, #tpu.memory_space<hbm>>
      %dma_wait3A_95 = tpu.memref_slice %arg2[%add3A_93] : memref<5603328xi32, #tpu.memory_space<hbm>> -> memref<8192xi32, #tpu.memory_space<hbm>>
      tpu.wait_dma2 semaphore(%arg9 : memref<!tpu.dma_semaphore, #tpu.memory_space<semaphore_mem>>) src(%dma_wait3A_95 : memref<8192xi32, #tpu.memory_space<hbm>>) dst(%arg7 : memref<8192xi32, #tpu.memory_space<vmem>>)
      %add3A_96 = arith.constant 1 : i32
      %add3A_97 = arith.addi %while3A_69, %add3A_96 : i32
      %lt3A_98 = arith.cmpi slt, %add3A_97, %select_n3A_47 : i32
      %convert_element_type3A = arith.extui %lt3A_98 : i1 to i32
      %cond3A = arith.constant 0 : i32
      %cond3A_99 = arith.cmpi ne, %convert_element_type3A, %cond3A : i32
      scf.if %cond3A_99 {
        %add3A_106 = arith.constant 2 : i32
        %add3A_107 = arith.addi %mul3A_71, %add3A_106 : i32
        %mul3A_108 = arith.constant 8192 : i32
        %mul3A_109 = arith.muli %add3A_107, %mul3A_108 : i32
        %add3A_110 = arith.addi %select_n3A_42, %mul3A_109 : i32
        %dma_start3A_111 = tpu.memref_slice %arg2[%add3A_110] : memref<5603328xi32, #tpu.memory_space<hbm>> -> memref<8192xi32, #tpu.memory_space<hbm>>
        %dma_start3A_112 = tpu.memref_slice %arg2[%add3A_110] : memref<5603328xi32, #tpu.memory_space<hbm>> -> memref<8192xi32, #tpu.memory_space<hbm>>
        tpu.enqueue_dma source(%dma_start3A_112 : memref<8192xi32, #tpu.memory_space<hbm>>) target(%arg6 : memref<8192xi32, #tpu.memory_space<vmem>>) target_semaphore(%arg8 : memref<!tpu.dma_semaphore, #tpu.memory_space<semaphore_mem>>)
      } else {
      }
      %scan3A_100 = arith.constant 0 : i32
      %scan3A_101 = arith.constant 0 : i32
      %scan3A_102 = arith.constant 64 : i32
      %scan3A_103 = arith.addi %scan3A_101, %scan3A_102 : i32
      %scan3A_104 = arith.constant 1 : i32
      scf.for %scan3A_106 = %scan3A_101 to %scan3A_103 step %scan3A_104  : i32 {
        %mul3A_107 = arith.constant 128 : i32
        %mul3A_108 = arith.muli %scan3A_106, %mul3A_107 : i32
        %add3A_109 = arith.constant 0 : i32
        %add3A_110 = arith.addi %mul3A_108, %add3A_109 : i32
        %get3A = arith.index_cast %add3A_110 : i32 to index
        %get3A_111 = tpu.vector_load %arg7[%get3A] {strides = array<i32>} : memref<8192xi32, #tpu.memory_space<vmem>>, vector<16xi32>,
        %and3A_112 = arith.constant 65535 : i32
        %and3A_113 = vector.broadcast %and3A_112 : i32 to vector<16xi32>
        %and3A_114 = arith.andi %get3A_111, %and3A_113 : vector<16xi32>
        tpu.vector_store_idx %arg4[%and3A_114], %broadcast_in_dim3A_50 {add = true} : memref<16384xf32, #tpu.memory_space<vmem>>[vector<16xi32>], vector<16xf32>,
        %shift_right_logical3A = arith.constant 16 : i32
        %shift_right_logical3A_115 = vector.broadcast %shift_right_logical3A : i32 to vector<16xi32>
        %shift_right_logical3A_116 = arith.shrui %get3A_111, %shift_right_logical3A_115 : vector<16xi32>
        tpu.vector_store_idx %arg5[%shift_right_logical3A_116], %broadcast_in_dim3A_50 {add = true} : memref<16384xf32, #tpu.memory_space<vmem>>[vector<16xi32>], vector<16xf32>,
        %mul3A_117 = arith.constant 128 : i32
        %mul3A_118 = arith.muli %scan3A_106, %mul3A_117 : i32
        %add3A_119 = arith.constant 16 : i32
        %add3A_120 = arith.addi %mul3A_118, %add3A_119 : i32
        %get3A_121 = arith.index_cast %add3A_120 : i32 to index
        %get3A_122 = tpu.vector_load %arg7[%get3A_121] {strides = array<i32>} : memref<8192xi32, #tpu.memory_space<vmem>>, vector<16xi32>,
        %and3A_123 = arith.constant 65535 : i32
        %and3A_124 = vector.broadcast %and3A_123 : i32 to vector<16xi32>
        %and3A_125 = arith.andi %get3A_122, %and3A_124 : vector<16xi32>
        tpu.vector_store_idx %arg4[%and3A_125], %broadcast_in_dim3A_50 {add = true} : memref<16384xf32, #tpu.memory_space<vmem>>[vector<16xi32>], vector<16xf32>,
        %shift_right_logical3A_126 = arith.constant 16 : i32
        %shift_right_logical3A_127 = vector.broadcast %shift_right_logical3A_126 : i32 to vector<16xi32>
        %shift_right_logical3A_128 = arith.shrui %get3A_122, %shift_right_logical3A_127 : vector<16xi32>
        tpu.vector_store_idx %arg5[%shift_right_logical3A_128], %broadcast_in_dim3A_50 {add = true} : memref<16384xf32, #tpu.memory_space<vmem>>[vector<16xi32>], vector<16xf32>,
        %mul3A_129 = arith.constant 128 : i32
        %mul3A_130 = arith.muli %scan3A_106, %mul3A_129 : i32
        %add3A_131 = arith.constant 32 : i32
        %add3A_132 = arith.addi %mul3A_130, %add3A_131 : i32
        %get3A_133 = arith.index_cast %add3A_132 : i32 to index
        %get3A_134 = tpu.vector_load %arg7[%get3A_133] {strides = array<i32>} : memref<8192xi32, #tpu.memory_space<vmem>>, vector<16xi32>,
        %and3A_135 = arith.constant 65535 : i32
        %and3A_136 = vector.broadcast %and3A_135 : i32 to vector<16xi32>
        %and3A_137 = arith.andi %get3A_134, %and3A_136 : vector<16xi32>
        tpu.vector_store_idx %arg4[%and3A_137], %broadcast_in_dim3A_50 {add = true} : memref<16384xf32, #tpu.memory_space<vmem>>[vector<16xi32>], vector<16xf32>,
        %shift_right_logical3A_138 = arith.constant 16 : i32
        %shift_right_logical3A_139 = vector.broadcast %shift_right_logical3A_138 : i32 to vector<16xi32>
        %shift_right_logical3A_140 = arith.shrui %get3A_134, %shift_right_logical3A_139 : vector<16xi32>
        tpu.vector_store_idx %arg5[%shift_right_logical3A_140], %broadcast_in_dim3A_50 {add = true} : memref<16384xf32, #tpu.memory_space<vmem>>[vector<16xi32>], vector<16xf32>,
        %mul3A_141 = arith.constant 128 : i32
        %mul3A_142 = arith.muli %scan3A_106, %mul3A_141 : i32
        %add3A_143 = arith.constant 48 : i32
        %add3A_144 = arith.addi %mul3A_142, %add3A_143 : i32
        %get3A_145 = arith.index_cast %add3A_144 : i32 to index
        %get3A_146 = tpu.vector_load %arg7[%get3A_145] {strides = array<i32>} : memref<8192xi32, #tpu.memory_space<vmem>>, vector<16xi32>,
        %and3A_147 = arith.constant 65535 : i32
        %and3A_148 = vector.broadcast %and3A_147 : i32 to vector<16xi32>
        %and3A_149 = arith.andi %get3A_146, %and3A_148 : vector<16xi32>
        tpu.vector_store_idx %arg4[%and3A_149], %broadcast_in_dim3A_50 {add = true} : memref<16384xf32, #tpu.memory_space<vmem>>[vector<16xi32>], vector<16xf32>,
        %shift_right_logical3A_150 = arith.constant 16 : i32
        %shift_right_logical3A_151 = vector.broadcast %shift_right_logical3A_150 : i32 to vector<16xi32>
        %shift_right_logical3A_152 = arith.shrui %get3A_146, %shift_right_logical3A_151 : vector<16xi32>
        tpu.vector_store_idx %arg5[%shift_right_logical3A_152], %broadcast_in_dim3A_50 {add = true} : memref<16384xf32, #tpu.memory_space<vmem>>[vector<16xi32>], vector<16xf32>,
        %mul3A_153 = arith.constant 128 : i32
        %mul3A_154 = arith.muli %scan3A_106, %mul3A_153 : i32
        %add3A_155 = arith.constant 64 : i32
        %add3A_156 = arith.addi %mul3A_154, %add3A_155 : i32
        %get3A_157 = arith.index_cast %add3A_156 : i32 to index
        %get3A_158 = tpu.vector_load %arg7[%get3A_157] {strides = array<i32>} : memref<8192xi32, #tpu.memory_space<vmem>>, vector<16xi32>,
        %and3A_159 = arith.constant 65535 : i32
        %and3A_160 = vector.broadcast %and3A_159 : i32 to vector<16xi32>
        %and3A_161 = arith.andi %get3A_158, %and3A_160 : vector<16xi32>
        tpu.vector_store_idx %arg4[%and3A_161], %broadcast_in_dim3A_50 {add = true} : memref<16384xf32, #tpu.memory_space<vmem>>[vector<16xi32>], vector<16xf32>,
        %shift_right_logical3A_162 = arith.constant 16 : i32
        %shift_right_logical3A_163 = vector.broadcast %shift_right_logical3A_162 : i32 to vector<16xi32>
        %shift_right_logical3A_164 = arith.shrui %get3A_158, %shift_right_logical3A_163 : vector<16xi32>
        tpu.vector_store_idx %arg5[%shift_right_logical3A_164], %broadcast_in_dim3A_50 {add = true} : memref<16384xf32, #tpu.memory_space<vmem>>[vector<16xi32>], vector<16xf32>,
        %mul3A_165 = arith.constant 128 : i32
        %mul3A_166 = arith.muli %scan3A_106, %mul3A_165 : i32
        %add3A_167 = arith.constant 80 : i32
        %add3A_168 = arith.addi %mul3A_166, %add3A_167 : i32
        %get3A_169 = arith.index_cast %add3A_168 : i32 to index
        %get3A_170 = tpu.vector_load %arg7[%get3A_169] {strides = array<i32>} : memref<8192xi32, #tpu.memory_space<vmem>>, vector<16xi32>,
        %and3A_171 = arith.constant 65535 : i32
        %and3A_172 = vector.broadcast %and3A_171 : i32 to vector<16xi32>
        %and3A_173 = arith.andi %get3A_170, %and3A_172 : vector<16xi32>
        tpu.vector_store_idx %arg4[%and3A_173], %broadcast_in_dim3A_50 {add = true} : memref<16384xf32, #tpu.memory_space<vmem>>[vector<16xi32>], vector<16xf32>,
        %shift_right_logical3A_174 = arith.constant 16 : i32
        %shift_right_logical3A_175 = vector.broadcast %shift_right_logical3A_174 : i32 to vector<16xi32>
        %shift_right_logical3A_176 = arith.shrui %get3A_170, %shift_right_logical3A_175 : vector<16xi32>
        tpu.vector_store_idx %arg5[%shift_right_logical3A_176], %broadcast_in_dim3A_50 {add = true} : memref<16384xf32, #tpu.memory_space<vmem>>[vector<16xi32>], vector<16xf32>,
        %mul3A_177 = arith.constant 128 : i32
        %mul3A_178 = arith.muli %scan3A_106, %mul3A_177 : i32
        %add3A_179 = arith.constant 96 : i32
        %add3A_180 = arith.addi %mul3A_178, %add3A_179 : i32
        %get3A_181 = arith.index_cast %add3A_180 : i32 to index
        %get3A_182 = tpu.vector_load %arg7[%get3A_181] {strides = array<i32>} : memref<8192xi32, #tpu.memory_space<vmem>>, vector<16xi32>,
        %and3A_183 = arith.constant 65535 : i32
        %and3A_184 = vector.broadcast %and3A_183 : i32 to vector<16xi32>
        %and3A_185 = arith.andi %get3A_182, %and3A_184 : vector<16xi32>
        tpu.vector_store_idx %arg4[%and3A_185], %broadcast_in_dim3A_50 {add = true} : memref<16384xf32, #tpu.memory_space<vmem>>[vector<16xi32>], vector<16xf32>,
        %shift_right_logical3A_186 = arith.constant 16 : i32
        %shift_right_logical3A_187 = vector.broadcast %shift_right_logical3A_186 : i32 to vector<16xi32>
        %shift_right_logical3A_188 = arith.shrui %get3A_182, %shift_right_logical3A_187 : vector<16xi32>
        tpu.vector_store_idx %arg5[%shift_right_logical3A_188], %broadcast_in_dim3A_50 {add = true} : memref<16384xf32, #tpu.memory_space<vmem>>[vector<16xi32>], vector<16xf32>,
        %mul3A_189 = arith.constant 128 : i32
        %mul3A_190 = arith.muli %scan3A_106, %mul3A_189 : i32
        %add3A_191 = arith.constant 112 : i32
        %add3A_192 = arith.addi %mul3A_190, %add3A_191 : i32
        %get3A_193 = arith.index_cast %add3A_192 : i32 to index
        %get3A_194 = tpu.vector_load %arg7[%get3A_193] {strides = array<i32>} : memref<8192xi32, #tpu.memory_space<vmem>>, vector<16xi32>,
        %and3A_195 = arith.constant 65535 : i32
        %and3A_196 = vector.broadcast %and3A_195 : i32 to vector<16xi32>
        %and3A_197 = arith.andi %get3A_194, %and3A_196 : vector<16xi32>
        tpu.vector_store_idx %arg4[%and3A_197], %broadcast_in_dim3A_50 {add = true} : memref<16384xf32, #tpu.memory_space<vmem>>[vector<16xi32>], vector<16xf32>,
        %shift_right_logical3A_198 = arith.constant 16 : i32
        %shift_right_logical3A_199 = vector.broadcast %shift_right_logical3A_198 : i32 to vector<16xi32>
        %shift_right_logical3A_200 = arith.shrui %get3A_194, %shift_right_logical3A_199 : vector<16xi32>
        tpu.vector_store_idx %arg5[%shift_right_logical3A_200], %broadcast_in_dim3A_50 {add = true} : memref<16384xf32, #tpu.memory_space<vmem>>[vector<16xi32>], vector<16xf32>,
      }
      %scan3A_105 = arith.constant 64 : i32
    }
    %while3A_67 = arith.constant 1 : i32
    scf.for %while3A_69 = %while3A_65 to %while3A_61 step %while3A_67  : i32 {
      %mul3A_70 = arith.constant 2 : i32
      %mul3A_71 = arith.muli %mul3A_70, %while3A_69 : i32
      %mul3A_72 = arith.constant 8192 : i32
      %mul3A_73 = arith.muli %mul3A_71, %mul3A_72 : i32
      %add3A_74 = arith.addi %select_n3A_42, %mul3A_73 : i32
      %dma_wait3A = tpu.memref_slice %arg2[%add3A_74] : memref<5603328xi32, #tpu.memory_space<hbm>> -> memref<8192xi32, #tpu.memory_space<hbm>>
      %dma_wait3A_75 = tpu.memref_slice %arg2[%add3A_74] : memref<5603328xi32, #tpu.memory_space<hbm>> -> memref<8192xi32, #tpu.memory_space<hbm>>
      tpu.wait_dma2 semaphore(%arg8 : memref<!tpu.dma_semaphore, #tpu.memory_space<semaphore_mem>>) src(%dma_wait3A_75 : memref<8192xi32, #tpu.memory_space<hbm>>) dst(%arg6 : memref<8192xi32, #tpu.memory_space<vmem>>)
      %add3A_76 = arith.constant 1 : i32
      %add3A_77 = arith.addi %mul3A_71, %add3A_76 : i32
      %mul3A_78 = arith.constant 8192 : i32
      %mul3A_79 = arith.muli %add3A_77, %mul3A_78 : i32
      %add3A_80 = arith.addi %select_n3A_42, %mul3A_79 : i32
      %dma_start3A_81 = tpu.memref_slice %arg2[%add3A_80] : memref<5603328xi32, #tpu.memory_space<hbm>> -> memref<8192xi32, #tpu.memory_space<hbm>>
      %dma_start3A_82 = tpu.memref_slice %arg2[%add3A_80] : memref<5603328xi32, #tpu.memory_space<hbm>> -> memref<8192xi32, #tpu.memory_space<hbm>>
      tpu.enqueue_dma source(%dma_start3A_82 : memref<8192xi32, #tpu.memory_space<hbm>>) target(%arg7 : memref<8192xi32, #tpu.memory_space<vmem>>) target_semaphore(%arg9 : memref<!tpu.dma_semaphore, #tpu.memory_space<semaphore_mem>>)
      %scan3A_83 = arith.constant 0 : i32
      %scan3A_84 = arith.constant 0 : i32
      %scan3A_85 = arith.constant 64 : i32
      %scan3A_86 = arith.addi %scan3A_84, %scan3A_85 : i32
      %scan3A_87 = arith.constant 1 : i32
      scf.for %scan3A_106 = %scan3A_84 to %scan3A_86 step %scan3A_87  : i32 {
        %mul3A_107 = arith.constant 128 : i32
        %mul3A_108 = arith.muli %scan3A_106, %mul3A_107 : i32
        %add3A_109 = arith.constant 0 : i32
        %add3A_110 = arith.addi %mul3A_108, %add3A_109 : i32
        %get3A = arith.index_cast %add3A_110 : i32 to index
        %get3A_111 = tpu.vector_load %arg6[%get3A] {strides = array<i32>} : memref<8192xi32, #tpu.memory_space<vmem>>, vector<16xi32>,
        %and3A_112 = arith.constant 65535 : i32
        %and3A_113 = vector.broadcast %and3A_112 : i32 to vector<16xi32>
        %and3A_114 = arith.andi %get3A_111, %and3A_113 : vector<16xi32>
        tpu.vector_store_idx %arg4[%and3A_114], %broadcast_in_dim3A_50 {add = true} : memref<16384xf32, #tpu.memory_space<vmem>>[vector<16xi32>], vector<16xf32>,
        %shift_right_logical3A = arith.constant 16 : i32
        %shift_right_logical3A_115 = vector.broadcast %shift_right_logical3A : i32 to vector<16xi32>
        %shift_right_logical3A_116 = arith.shrui %get3A_111, %shift_right_logical3A_115 : vector<16xi32>
        tpu.vector_store_idx %arg5[%shift_right_logical3A_116], %broadcast_in_dim3A_50 {add = true} : memref<16384xf32, #tpu.memory_space<vmem>>[vector<16xi32>], vector<16xf32>,
        %mul3A_117 = arith.constant 128 : i32
        %mul3A_118 = arith.muli %scan3A_106, %mul3A_117 : i32
        %add3A_119 = arith.constant 16 : i32
        %add3A_120 = arith.addi %mul3A_118, %add3A_119 : i32
        %get3A_121 = arith.index_cast %add3A_120 : i32 to index
        %get3A_122 = tpu.vector_load %arg6[%get3A_121] {strides = array<i32>} : memref<8192xi32, #tpu.memory_space<vmem>>, vector<16xi32>,
        %and3A_123 = arith.constant 65535 : i32
        %and3A_124 = vector.broadcast %and3A_123 : i32 to vector<16xi32>
        %and3A_125 = arith.andi %get3A_122, %and3A_124 : vector<16xi32>
        tpu.vector_store_idx %arg4[%and3A_125], %broadcast_in_dim3A_50 {add = true} : memref<16384xf32, #tpu.memory_space<vmem>>[vector<16xi32>], vector<16xf32>,
        %shift_right_logical3A_126 = arith.constant 16 : i32
        %shift_right_logical3A_127 = vector.broadcast %shift_right_logical3A_126 : i32 to vector<16xi32>
        %shift_right_logical3A_128 = arith.shrui %get3A_122, %shift_right_logical3A_127 : vector<16xi32>
        tpu.vector_store_idx %arg5[%shift_right_logical3A_128], %broadcast_in_dim3A_50 {add = true} : memref<16384xf32, #tpu.memory_space<vmem>>[vector<16xi32>], vector<16xf32>,
        %mul3A_129 = arith.constant 128 : i32
        %mul3A_130 = arith.muli %scan3A_106, %mul3A_129 : i32
        %add3A_131 = arith.constant 32 : i32
        %add3A_132 = arith.addi %mul3A_130, %add3A_131 : i32
        %get3A_133 = arith.index_cast %add3A_132 : i32 to index
        %get3A_134 = tpu.vector_load %arg6[%get3A_133] {strides = array<i32>} : memref<8192xi32, #tpu.memory_space<vmem>>, vector<16xi32>,
        %and3A_135 = arith.constant 65535 : i32
        %and3A_136 = vector.broadcast %and3A_135 : i32 to vector<16xi32>
        %and3A_137 = arith.andi %get3A_134, %and3A_136 : vector<16xi32>
        tpu.vector_store_idx %arg4[%and3A_137], %broadcast_in_dim3A_50 {add = true} : memref<16384xf32, #tpu.memory_space<vmem>>[vector<16xi32>], vector<16xf32>,
        %shift_right_logical3A_138 = arith.constant 16 : i32
        %shift_right_logical3A_139 = vector.broadcast %shift_right_logical3A_138 : i32 to vector<16xi32>
        %shift_right_logical3A_140 = arith.shrui %get3A_134, %shift_right_logical3A_139 : vector<16xi32>
        tpu.vector_store_idx %arg5[%shift_right_logical3A_140], %broadcast_in_dim3A_50 {add = true} : memref<16384xf32, #tpu.memory_space<vmem>>[vector<16xi32>], vector<16xf32>,
        %mul3A_141 = arith.constant 128 : i32
        %mul3A_142 = arith.muli %scan3A_106, %mul3A_141 : i32
        %add3A_143 = arith.constant 48 : i32
        %add3A_144 = arith.addi %mul3A_142, %add3A_143 : i32
        %get3A_145 = arith.index_cast %add3A_144 : i32 to index
        %get3A_146 = tpu.vector_load %arg6[%get3A_145] {strides = array<i32>} : memref<8192xi32, #tpu.memory_space<vmem>>, vector<16xi32>,
        %and3A_147 = arith.constant 65535 : i32
        %and3A_148 = vector.broadcast %and3A_147 : i32 to vector<16xi32>
        %and3A_149 = arith.andi %get3A_146, %and3A_148 : vector<16xi32>
        tpu.vector_store_idx %arg4[%and3A_149], %broadcast_in_dim3A_50 {add = true} : memref<16384xf32, #tpu.memory_space<vmem>>[vector<16xi32>], vector<16xf32>,
        %shift_right_logical3A_150 = arith.constant 16 : i32
        %shift_right_logical3A_151 = vector.broadcast %shift_right_logical3A_150 : i32 to vector<16xi32>
        %shift_right_logical3A_152 = arith.shrui %get3A_146, %shift_right_logical3A_151 : vector<16xi32>
        tpu.vector_store_idx %arg5[%shift_right_logical3A_152], %broadcast_in_dim3A_50 {add = true} : memref<16384xf32, #tpu.memory_space<vmem>>[vector<16xi32>], vector<16xf32>,
        %mul3A_153 = arith.constant 128 : i32
        %mul3A_154 = arith.muli %scan3A_106, %mul3A_153 : i32
        %add3A_155 = arith.constant 64 : i32
        %add3A_156 = arith.addi %mul3A_154, %add3A_155 : i32
        %get3A_157 = arith.index_cast %add3A_156 : i32 to index
        %get3A_158 = tpu.vector_load %arg6[%get3A_157] {strides = array<i32>} : memref<8192xi32, #tpu.memory_space<vmem>>, vector<16xi32>,
        %and3A_159 = arith.constant 65535 : i32
        %and3A_160 = vector.broadcast %and3A_159 : i32 to vector<16xi32>
        %and3A_161 = arith.andi %get3A_158, %and3A_160 : vector<16xi32>
        tpu.vector_store_idx %arg4[%and3A_161], %broadcast_in_dim3A_50 {add = true} : memref<16384xf32, #tpu.memory_space<vmem>>[vector<16xi32>], vector<16xf32>,
        %shift_right_logical3A_162 = arith.constant 16 : i32
        %shift_right_logical3A_163 = vector.broadcast %shift_right_logical3A_162 : i32 to vector<16xi32>
        %shift_right_logical3A_164 = arith.shrui %get3A_158, %shift_right_logical3A_163 : vector<16xi32>
        tpu.vector_store_idx %arg5[%shift_right_logical3A_164], %broadcast_in_dim3A_50 {add = true} : memref<16384xf32, #tpu.memory_space<vmem>>[vector<16xi32>], vector<16xf32>,
        %mul3A_165 = arith.constant 128 : i32
        %mul3A_166 = arith.muli %scan3A_106, %mul3A_165 : i32
        %add3A_167 = arith.constant 80 : i32
        %add3A_168 = arith.addi %mul3A_166, %add3A_167 : i32
        %get3A_169 = arith.index_cast %add3A_168 : i32 to index
        %get3A_170 = tpu.vector_load %arg6[%get3A_169] {strides = array<i32>} : memref<8192xi32, #tpu.memory_space<vmem>>, vector<16xi32>,
        %and3A_171 = arith.constant 65535 : i32
        %and3A_172 = vector.broadcast %and3A_171 : i32 to vector<16xi32>
        %and3A_173 = arith.andi %get3A_170, %and3A_172 : vector<16xi32>
        tpu.vector_store_idx %arg4[%and3A_173], %broadcast_in_dim3A_50 {add = true} : memref<16384xf32, #tpu.memory_space<vmem>>[vector<16xi32>], vector<16xf32>,
        %shift_right_logical3A_174 = arith.constant 16 : i32
        %shift_right_logical3A_175 = vector.broadcast %shift_right_logical3A_174 : i32 to vector<16xi32>
        %shift_right_logical3A_176 = arith.shrui %get3A_170, %shift_right_logical3A_175 : vector<16xi32>
        tpu.vector_store_idx %arg5[%shift_right_logical3A_176], %broadcast_in_dim3A_50 {add = true} : memref<16384xf32, #tpu.memory_space<vmem>>[vector<16xi32>], vector<16xf32>,
        %mul3A_177 = arith.constant 128 : i32
        %mul3A_178 = arith.muli %scan3A_106, %mul3A_177 : i32
        %add3A_179 = arith.constant 96 : i32
        %add3A_180 = arith.addi %mul3A_178, %add3A_179 : i32
        %get3A_181 = arith.index_cast %add3A_180 : i32 to index
        %get3A_182 = tpu.vector_load %arg6[%get3A_181] {strides = array<i32>} : memref<8192xi32, #tpu.memory_space<vmem>>, vector<16xi32>,
        %and3A_183 = arith.constant 65535 : i32
        %and3A_184 = vector.broadcast %and3A_183 : i32 to vector<16xi32>
        %and3A_185 = arith.andi %get3A_182, %and3A_184 : vector<16xi32>
        tpu.vector_store_idx %arg4[%and3A_185], %broadcast_in_dim3A_50 {add = true} : memref<16384xf32, #tpu.memory_space<vmem>>[vector<16xi32>], vector<16xf32>,
        %shift_right_logical3A_186 = arith.constant 16 : i32
        %shift_right_logical3A_187 = vector.broadcast %shift_right_logical3A_186 : i32 to vector<16xi32>
        %shift_right_logical3A_188 = arith.shrui %get3A_182, %shift_right_logical3A_187 : vector<16xi32>
        tpu.vector_store_idx %arg5[%shift_right_logical3A_188], %broadcast_in_dim3A_50 {add = true} : memref<16384xf32, #tpu.memory_space<vmem>>[vector<16xi32>], vector<16xf32>,
        %mul3A_189 = arith.constant 128 : i32
        %mul3A_190 = arith.muli %scan3A_106, %mul3A_189 : i32
        %add3A_191 = arith.constant 112 : i32
        %add3A_192 = arith.addi %mul3A_190, %add3A_191 : i32
        %get3A_193 = arith.index_cast %add3A_192 : i32 to index
        %get3A_194 = tpu.vector_load %arg6[%get3A_193] {strides = array<i32>} : memref<8192xi32, #tpu.memory_space<vmem>>, vector<16xi32>,
        %and3A_195 = arith.constant 65535 : i32
        %and3A_196 = vector.broadcast %and3A_195 : i32 to vector<16xi32>
        %and3A_197 = arith.andi %get3A_194, %and3A_196 : vector<16xi32>
        tpu.vector_store_idx %arg4[%and3A_197], %broadcast_in_dim3A_50 {add = true} : memref<16384xf32, #tpu.memory_space<vmem>>[vector<16xi32>], vector<16xf32>,
        %shift_right_logical3A_198 = arith.constant 16 : i32
        %shift_right_logical3A_199 = vector.broadcast %shift_right_logical3A_198 : i32 to vector<16xi32>
        %shift_right_logical3A_200 = arith.shrui %get3A_194, %shift_right_logical3A_199 : vector<16xi32>
        tpu.vector_store_idx %arg5[%shift_right_logical3A_200], %broadcast_in_dim3A_50 {add = true} : memref<16384xf32, #tpu.memory_space<vmem>>[vector<16xi32>], vector<16xf32>,
      }
      %scan3A_88 = arith.constant 64 : i32
      %add3A_89 = arith.constant 1 : i32
      %add3A_90 = arith.addi %mul3A_71, %add3A_89 : i32
      %mul3A_91 = arith.constant 8192 : i32
      %mul3A_92 = arith.muli %add3A_90, %mul3A_91 : i32
      %add3A_93 = arith.addi %select_n3A_42, %mul3A_92 : i32
      %dma_wait3A_94 = tpu.memref_slice %arg2[%add3A_93] : memref<5603328xi32, #tpu.memory_space<hbm>> -> memref<8192xi32, #tpu.memory_space<hbm>>
      %dma_wait3A_95 = tpu.memref_slice %arg2[%add3A_93] : memref<5603328xi32, #tpu.memory_space<hbm>> -> memref<8192xi32, #tpu.memory_space<hbm>>
      tpu.wait_dma2 semaphore(%arg9 : memref<!tpu.dma_semaphore, #tpu.memory_space<semaphore_mem>>) src(%dma_wait3A_95 : memref<8192xi32, #tpu.memory_space<hbm>>) dst(%arg7 : memref<8192xi32, #tpu.memory_space<vmem>>)
      %add3A_96 = arith.constant 1 : i32
      %add3A_97 = arith.addi %while3A_69, %add3A_96 : i32
      %lt3A_98 = arith.cmpi slt, %add3A_97, %select_n3A_47 : i32
      %convert_element_type3A = arith.extui %lt3A_98 : i1 to i32
      %cond3A = arith.constant 0 : i32
      %cond3A_99 = arith.cmpi ne, %convert_element_type3A, %cond3A : i32
      scf.if %cond3A_99 {
        %add3A_106 = arith.constant 2 : i32
        %add3A_107 = arith.addi %mul3A_71, %add3A_106 : i32
        %mul3A_108 = arith.constant 8192 : i32
        %mul3A_109 = arith.muli %add3A_107, %mul3A_108 : i32
        %add3A_110 = arith.addi %select_n3A_42, %mul3A_109 : i32
        %dma_start3A_111 = tpu.memref_slice %arg2[%add3A_110] : memref<5603328xi32, #tpu.memory_space<hbm>> -> memref<8192xi32, #tpu.memory_space<hbm>>
        %dma_start3A_112 = tpu.memref_slice %arg2[%add3A_110] : memref<5603328xi32, #tpu.memory_space<hbm>> -> memref<8192xi32, #tpu.memory_space<hbm>>
        tpu.enqueue_dma source(%dma_start3A_112 : memref<8192xi32, #tpu.memory_space<hbm>>) target(%arg6 : memref<8192xi32, #tpu.memory_space<vmem>>) target_semaphore(%arg8 : memref<!tpu.dma_semaphore, #tpu.memory_space<semaphore_mem>>)
      } else {
      }
      %scan3A_100 = arith.constant 0 : i32
      %scan3A_101 = arith.constant 0 : i32
      %scan3A_102 = arith.constant 64 : i32
      %scan3A_103 = arith.addi %scan3A_101, %scan3A_102 : i32
      %scan3A_104 = arith.constant 1 : i32
      scf.for %scan3A_106 = %scan3A_101 to %scan3A_103 step %scan3A_104  : i32 {
        %mul3A_107 = arith.constant 128 : i32
        %mul3A_108 = arith.muli %scan3A_106, %mul3A_107 : i32
        %add3A_109 = arith.constant 0 : i32
        %add3A_110 = arith.addi %mul3A_108, %add3A_109 : i32
        %get3A = arith.index_cast %add3A_110 : i32 to index
        %get3A_111 = tpu.vector_load %arg7[%get3A] {strides = array<i32>} : memref<8192xi32, #tpu.memory_space<vmem>>, vector<16xi32>,
        %and3A_112 = arith.constant 65535 : i32
        %and3A_113 = vector.broadcast %and3A_112 : i32 to vector<16xi32>
        %and3A_114 = arith.andi %get3A_111, %and3A_113 : vector<16xi32>
        tpu.vector_store_idx %arg4[%and3A_114], %broadcast_in_dim3A_50 {add = true} : memref<16384xf32, #tpu.memory_space<vmem>>[vector<16xi32>], vector<16xf32>,
        %shift_right_logical3A = arith.constant 16 : i32
        %shift_right_logical3A_115 = vector.broadcast %shift_right_logical3A : i32 to vector<16xi32>
        %shift_right_logical3A_116 = arith.shrui %get3A_111, %shift_right_logical3A_115 : vector<16xi32>
        tpu.vector_store_idx %arg5[%shift_right_logical3A_116], %broadcast_in_dim3A_50 {add = true} : memref<16384xf32, #tpu.memory_space<vmem>>[vector<16xi32>], vector<16xf32>,
        %mul3A_117 = arith.constant 128 : i32
        %mul3A_118 = arith.muli %scan3A_106, %mul3A_117 : i32
        %add3A_119 = arith.constant 16 : i32
        %add3A_120 = arith.addi %mul3A_118, %add3A_119 : i32
        %get3A_121 = arith.index_cast %add3A_120 : i32 to index
        %get3A_122 = tpu.vector_load %arg7[%get3A_121] {strides = array<i32>} : memref<8192xi32, #tpu.memory_space<vmem>>, vector<16xi32>,
        %and3A_123 = arith.constant 65535 : i32
        %and3A_124 = vector.broadcast %and3A_123 : i32 to vector<16xi32>
        %and3A_125 = arith.andi %get3A_122, %and3A_124 : vector<16xi32>
        tpu.vector_store_idx %arg4[%and3A_125], %broadcast_in_dim3A_50 {add = true} : memref<16384xf32, #tpu.memory_space<vmem>>[vector<16xi32>], vector<16xf32>,
        %shift_right_logical3A_126 = arith.constant 16 : i32
        %shift_right_logical3A_127 = vector.broadcast %shift_right_logical3A_126 : i32 to vector<16xi32>
        %shift_right_logical3A_128 = arith.shrui %get3A_122, %shift_right_logical3A_127 : vector<16xi32>
        tpu.vector_store_idx %arg5[%shift_right_logical3A_128], %broadcast_in_dim3A_50 {add = true} : memref<16384xf32, #tpu.memory_space<vmem>>[vector<16xi32>], vector<16xf32>,
        %mul3A_129 = arith.constant 128 : i32
        %mul3A_130 = arith.muli %scan3A_106, %mul3A_129 : i32
        %add3A_131 = arith.constant 32 : i32
        %add3A_132 = arith.addi %mul3A_130, %add3A_131 : i32
        %get3A_133 = arith.index_cast %add3A_132 : i32 to index
        %get3A_134 = tpu.vector_load %arg7[%get3A_133] {strides = array<i32>} : memref<8192xi32, #tpu.memory_space<vmem>>, vector<16xi32>,
        %and3A_135 = arith.constant 65535 : i32
        %and3A_136 = vector.broadcast %and3A_135 : i32 to vector<16xi32>
        %and3A_137 = arith.andi %get3A_134, %and3A_136 : vector<16xi32>
        tpu.vector_store_idx %arg4[%and3A_137], %broadcast_in_dim3A_50 {add = true} : memref<16384xf32, #tpu.memory_space<vmem>>[vector<16xi32>], vector<16xf32>,
        %shift_right_logical3A_138 = arith.constant 16 : i32
        %shift_right_logical3A_139 = vector.broadcast %shift_right_logical3A_138 : i32 to vector<16xi32>
        %shift_right_logical3A_140 = arith.shrui %get3A_134, %shift_right_logical3A_139 : vector<16xi32>
        tpu.vector_store_idx %arg5[%shift_right_logical3A_140], %broadcast_in_dim3A_50 {add = true} : memref<16384xf32, #tpu.memory_space<vmem>>[vector<16xi32>], vector<16xf32>,
        %mul3A_141 = arith.constant 128 : i32
        %mul3A_142 = arith.muli %scan3A_106, %mul3A_141 : i32
        %add3A_143 = arith.constant 48 : i32
        %add3A_144 = arith.addi %mul3A_142, %add3A_143 : i32
        %get3A_145 = arith.index_cast %add3A_144 : i32 to index
        %get3A_146 = tpu.vector_load %arg7[%get3A_145] {strides = array<i32>} : memref<8192xi32, #tpu.memory_space<vmem>>, vector<16xi32>,
        %and3A_147 = arith.constant 65535 : i32
        %and3A_148 = vector.broadcast %and3A_147 : i32 to vector<16xi32>
        %and3A_149 = arith.andi %get3A_146, %and3A_148 : vector<16xi32>
        tpu.vector_store_idx %arg4[%and3A_149], %broadcast_in_dim3A_50 {add = true} : memref<16384xf32, #tpu.memory_space<vmem>>[vector<16xi32>], vector<16xf32>,
        %shift_right_logical3A_150 = arith.constant 16 : i32
        %shift_right_logical3A_151 = vector.broadcast %shift_right_logical3A_150 : i32 to vector<16xi32>
        %shift_right_logical3A_152 = arith.shrui %get3A_146, %shift_right_logical3A_151 : vector<16xi32>
        tpu.vector_store_idx %arg5[%shift_right_logical3A_152], %broadcast_in_dim3A_50 {add = true} : memref<16384xf32, #tpu.memory_space<vmem>>[vector<16xi32>], vector<16xf32>,
        %mul3A_153 = arith.constant 128 : i32
        %mul3A_154 = arith.muli %scan3A_106, %mul3A_153 : i32
        %add3A_155 = arith.constant 64 : i32
        %add3A_156 = arith.addi %mul3A_154, %add3A_155 : i32
        %get3A_157 = arith.index_cast %add3A_156 : i32 to index
        %get3A_158 = tpu.vector_load %arg7[%get3A_157] {strides = array<i32>} : memref<8192xi32, #tpu.memory_space<vmem>>, vector<16xi32>,
        %and3A_159 = arith.constant 65535 : i32
        %and3A_160 = vector.broadcast %and3A_159 : i32 to vector<16xi32>
        %and3A_161 = arith.andi %get3A_158, %and3A_160 : vector<16xi32>
        tpu.vector_store_idx %arg4[%and3A_161], %broadcast_in_dim3A_50 {add = true} : memref<16384xf32, #tpu.memory_space<vmem>>[vector<16xi32>], vector<16xf32>,
        %shift_right_logical3A_162 = arith.constant 16 : i32
        %shift_right_logical3A_163 = vector.broadcast %shift_right_logical3A_162 : i32 to vector<16xi32>
        %shift_right_logical3A_164 = arith.shrui %get3A_158, %shift_right_logical3A_163 : vector<16xi32>
        tpu.vector_store_idx %arg5[%shift_right_logical3A_164], %broadcast_in_dim3A_50 {add = true} : memref<16384xf32, #tpu.memory_space<vmem>>[vector<16xi32>], vector<16xf32>,
        %mul3A_165 = arith.constant 128 : i32
        %mul3A_166 = arith.muli %scan3A_106, %mul3A_165 : i32
        %add3A_167 = arith.constant 80 : i32
        %add3A_168 = arith.addi %mul3A_166, %add3A_167 : i32
        %get3A_169 = arith.index_cast %add3A_168 : i32 to index
        %get3A_170 = tpu.vector_load %arg7[%get3A_169] {strides = array<i32>} : memref<8192xi32, #tpu.memory_space<vmem>>, vector<16xi32>,
        %and3A_171 = arith.constant 65535 : i32
        %and3A_172 = vector.broadcast %and3A_171 : i32 to vector<16xi32>
        %and3A_173 = arith.andi %get3A_170, %and3A_172 : vector<16xi32>
        tpu.vector_store_idx %arg4[%and3A_173], %broadcast_in_dim3A_50 {add = true} : memref<16384xf32, #tpu.memory_space<vmem>>[vector<16xi32>], vector<16xf32>,
        %shift_right_logical3A_174 = arith.constant 16 : i32
        %shift_right_logical3A_175 = vector.broadcast %shift_right_logical3A_174 : i32 to vector<16xi32>
        %shift_right_logical3A_176 = arith.shrui %get3A_170, %shift_right_logical3A_175 : vector<16xi32>
        tpu.vector_store_idx %arg5[%shift_right_logical3A_176], %broadcast_in_dim3A_50 {add = true} : memref<16384xf32, #tpu.memory_space<vmem>>[vector<16xi32>], vector<16xf32>,
        %mul3A_177 = arith.constant 128 : i32
        %mul3A_178 = arith.muli %scan3A_106, %mul3A_177 : i32
        %add3A_179 = arith.constant 96 : i32
        %add3A_180 = arith.addi %mul3A_178, %add3A_179 : i32
        %get3A_181 = arith.index_cast %add3A_180 : i32 to index
        %get3A_182 = tpu.vector_load %arg7[%get3A_181] {strides = array<i32>} : memref<8192xi32, #tpu.memory_space<vmem>>, vector<16xi32>,
        %and3A_183 = arith.constant 65535 : i32
        %and3A_184 = vector.broadcast %and3A_183 : i32 to vector<16xi32>
        %and3A_185 = arith.andi %get3A_182, %and3A_184 : vector<16xi32>
        tpu.vector_store_idx %arg4[%and3A_185], %broadcast_in_dim3A_50 {add = true} : memref<16384xf32, #tpu.memory_space<vmem>>[vector<16xi32>], vector<16xf32>,
        %shift_right_logical3A_186 = arith.constant 16 : i32
        %shift_right_logical3A_187 = vector.broadcast %shift_right_logical3A_186 : i32 to vector<16xi32>
        %shift_right_logical3A_188 = arith.shrui %get3A_182, %shift_right_logical3A_187 : vector<16xi32>
        tpu.vector_store_idx %arg5[%shift_right_logical3A_188], %broadcast_in_dim3A_50 {add = true} : memref<16384xf32, #tpu.memory_space<vmem>>[vector<16xi32>], vector<16xf32>,
        %mul3A_189 = arith.constant 128 : i32
        %mul3A_190 = arith.muli %scan3A_106, %mul3A_189 : i32
        %add3A_191 = arith.constant 112 : i32
        %add3A_192 = arith.addi %mul3A_190, %add3A_191 : i32
        %get3A_193 = arith.index_cast %add3A_192 : i32 to index
        %get3A_194 = tpu.vector_load %arg7[%get3A_193] {strides = array<i32>} : memref<8192xi32, #tpu.memory_space<vmem>>, vector<16xi32>,
        %and3A_195 = arith.constant 65535 : i32
        %and3A_196 = vector.broadcast %and3A_195 : i32 to vector<16xi32>
        %and3A_197 = arith.andi %get3A_194, %and3A_196 : vector<16xi32>
        tpu.vector_store_idx %arg4[%and3A_197], %broadcast_in_dim3A_50 {add = true} : memref<16384xf32, #tpu.memory_space<vmem>>[vector<16xi32>], vector<16xf32>,
        %shift_right_logical3A_198 = arith.constant 16 : i32
        %shift_right_logical3A_199 = vector.broadcast %shift_right_logical3A_198 : i32 to vector<16xi32>
        %shift_right_logical3A_200 = arith.shrui %get3A_194, %shift_right_logical3A_199 : vector<16xi32>
        tpu.vector_store_idx %arg5[%shift_right_logical3A_200], %broadcast_in_dim3A_50 {add = true} : memref<16384xf32, #tpu.memory_space<vmem>>[vector<16xi32>], vector<16xf32>,
      }
      %scan3A_105 = arith.constant 64 : i32
    }
    %run_scoped3A = arith.constant 0 : i32
    "tpu.region"() ({
      %run_scoped3A_69 = tpu.sem_alloc : memref<!tpu.dma_semaphore, #tpu.memory_space<semaphore_mem>>
      %dma_start3A_70 = arith.constant 0 : i32
      %dma_start3A_71 = tpu.memref_slice %arg3[%add3A, %run_scoped3A, %dma_start3A_70] : memref<32x2x16384xf32, #tpu.memory_space<hbm>> -> memref<1x1x16384xf32, #tpu.memory_space<hbm>>
      %dma_start3A_72 = tpu.memref_squeeze %dma_start3A_71 : memref<1x1x16384xf32, #tpu.memory_space<hbm>> -> memref<16384xf32, #tpu.memory_space<hbm>>
      %dma_start3A_73 = arith.constant 0 : i32
      %dma_start3A_74 = tpu.memref_slice %arg3[%add3A, %run_scoped3A, %dma_start3A_73] : memref<32x2x16384xf32, #tpu.memory_space<hbm>> -> memref<1x1x16384xf32, #tpu.memory_space<hbm>>
      %dma_start3A_75 = tpu.memref_squeeze %dma_start3A_74 : memref<1x1x16384xf32, #tpu.memory_space<hbm>> -> memref<16384xf32, #tpu.memory_space<hbm>>
      tpu.enqueue_dma source(%arg4 : memref<16384xf32, #tpu.memory_space<vmem>>) target(%dma_start3A_75 : memref<16384xf32, #tpu.memory_space<hbm>>) target_semaphore(%run_scoped3A_69 : memref<!tpu.dma_semaphore, #tpu.memory_space<semaphore_mem>>)
      %dma_wait3A = arith.constant 0 : i32
      %dma_wait3A_76 = tpu.memref_slice %arg3[%add3A, %run_scoped3A, %dma_wait3A] : memref<32x2x16384xf32, #tpu.memory_space<hbm>> -> memref<1x1x16384xf32, #tpu.memory_space<hbm>>
      %dma_wait3A_77 = tpu.memref_squeeze %dma_wait3A_76 : memref<1x1x16384xf32, #tpu.memory_space<hbm>> -> memref<16384xf32, #tpu.memory_space<hbm>>
      %dma_wait3A_78 = arith.constant 0 : i32
      %dma_wait3A_79 = tpu.memref_slice %arg3[%add3A, %run_scoped3A, %dma_wait3A_78] : memref<32x2x16384xf32, #tpu.memory_space<hbm>> -> memref<1x1x16384xf32, #tpu.memory_space<hbm>>
      %dma_wait3A_80 = tpu.memref_squeeze %dma_wait3A_79 : memref<1x1x16384xf32, #tpu.memory_space<hbm>> -> memref<16384xf32, #tpu.memory_space<hbm>>
      tpu.wait_dma2 semaphore(%run_scoped3A_69 : memref<!tpu.dma_semaphore, #tpu.memory_space<semaphore_mem>>) src(%arg4 : memref<16384xf32, #tpu.memory_space<vmem>>) dst(%dma_wait3A_80 : memref<16384xf32, #tpu.memory_space<hbm>>)
      tpu.yield
    }) : () -> ()
    %run_scoped3A_68 = arith.constant 1 : i32
    "tpu.region"() ({
      %run_scoped3A_69 = tpu.sem_alloc : memref<!tpu.dma_semaphore, #tpu.memory_space<semaphore_mem>>
      %dma_start3A_70 = arith.constant 0 : i32
      %dma_start3A_71 = tpu.memref_slice %arg3[%add3A, %run_scoped3A_68, %dma_start3A_70] : memref<32x2x16384xf32, #tpu.memory_space<hbm>> -> memref<1x1x16384xf32, #tpu.memory_space<hbm>>
      %dma_start3A_72 = tpu.memref_squeeze %dma_start3A_71 : memref<1x1x16384xf32, #tpu.memory_space<hbm>> -> memref<16384xf32, #tpu.memory_space<hbm>>
      %dma_start3A_73 = arith.constant 0 : i32
      %dma_start3A_74 = tpu.memref_slice %arg3[%add3A, %run_scoped3A_68, %dma_start3A_73] : memref<32x2x16384xf32, #tpu.memory_space<hbm>> -> memref<1x1x16384xf32, #tpu.memory_space<hbm>>
      %dma_start3A_75 = tpu.memref_squeeze %dma_start3A_74 : memref<1x1x16384xf32, #tpu.memory_space<hbm>> -> memref<16384xf32, #tpu.memory_space<hbm>>
      tpu.enqueue_dma source(%arg5 : memref<16384xf32, #tpu.memory_space<vmem>>) target(%dma_start3A_75 : memref<16384xf32, #tpu.memory_space<hbm>>) target_semaphore(%run_scoped3A_69 : memref<!tpu.dma_semaphore, #tpu.memory_space<semaphore_mem>>)
      %dma_wait3A = arith.constant 0 : i32
      %dma_wait3A_76 = tpu.memref_slice %arg3[%add3A, %run_scoped3A_68, %dma_wait3A] : memref<32x2x16384xf32, #tpu.memory_space<hbm>> -> memref<1x1x16384xf32, #tpu.memory_space<hbm>>
      %dma_wait3A_77 = tpu.memref_squeeze %dma_wait3A_76 : memref<1x1x16384xf32, #tpu.memory_space<hbm>> -> memref<16384xf32, #tpu.memory_space<hbm>>
      %dma_wait3A_78 = arith.constant 0 : i32
      %dma_wait3A_79 = tpu.memref_slice %arg3[%add3A, %run_scoped3A_68, %dma_wait3A_78] : memref<32x2x16384xf32, #tpu.memory_space<hbm>> -> memref<1x1x16384xf32, #tpu.memory_space<hbm>>
      %dma_wait3A_80 = tpu.memref_squeeze %dma_wait3A_79 : memref<1x1x16384xf32, #tpu.memory_space<hbm>> -> memref<16384xf32, #tpu.memory_space<hbm>>
      tpu.wait_dma2 semaphore(%run_scoped3A_69 : memref<!tpu.dma_semaphore, #tpu.memory_space<semaphore_mem>>) src(%arg5 : memref<16384xf32, #tpu.memory_space<vmem>>) dst(%dma_wait3A_80 : memref<16384xf32, #tpu.memory_space<hbm>>)
      tpu.yield
    }) : () -> ()
    return
  }
}

module attributes {stable_mosaic.version = 14 : i64} {
  func.func @_epilogue_kernel(%arg0: memref<64x128x128xf32, #tpu.memory_space<vmem>>, %arg1: memref<19x64xf32, #tpu.memory_space<vmem>>, %arg2: memref<1x1xf32, #tpu.memory_space<vmem>>) attributes {dimension_semantics = [], scalar_prefetch = 0 : i64, scratch_operands = 0 : i64, tpu.core_type = #tpu.core_type<tc>} {
    %get3A = arith.constant 0 : index
    %get3A_0 = arith.constant 0 : index
    %get3A_1 = vector.load %arg1[%get3A, %get3A_0] : memref<19x64xf32, #tpu.memory_space<vmem>>, vector<19x64xf32>
    %get3A_2 = arith.constant 0 : index
    %get3A_3 = arith.constant 0 : index
    %get3A_4 = arith.constant 0 : index
    %get3A_5 = vector.load %arg0[%get3A_2, %get3A_3, %get3A_4] : memref<64x128x128xf32, #tpu.memory_space<vmem>>, vector<64x128x128xf32>
    %dot_general3A = arith.constant dense<0.000000e+00> : vector<19x128x128xf32>
    %dot_general3A_6 = tpu.matmul %get3A_1, %get3A_5, %dot_general3A {dimension_numbers = #tpu.dot_dimension_numbers<[1], [0], [0], [1, 2], [0, 0, 1, 1, 1, 2], [], []>, transpose_lhs_hint = false} : vector<19x64xf32>, vector<64x128x128xf32>, vector<19x128x128xf32> -> vector<19x128x128xf32>
    %slice3A = vector.extract_strided_slice %dot_general3A_6 {offsets = [0, 0, 0], sizes = [19, 64, 128], strides = [1, 1, 1]} : vector<19x128x128xf32> to vector<19x64x128xf32>
    %slice3A_7 = vector.extract_strided_slice %dot_general3A_6 {offsets = [0, 64, 0], sizes = [19, 64, 128], strides = [1, 1, 1]} : vector<19x128x128xf32> to vector<19x64x128xf32>
    %iota3A = tpu.iota {dimensions = array<i32: 0>} : vector<128x128xi32>
    %iota3A_8 = tpu.iota {dimensions = array<i32: 1>} : vector<128x128xi32>
    %le3A = arith.cmpi sle, %iota3A, %iota3A_8 : vector<128x128xi32>
    %convert_element_type3A = arith.extui %le3A : vector<128x128xi1> to vector<128x128xi32>
    %convert_element_type3A_9 = arith.sitofp %convert_element_type3A : vector<128x128xi32> to vector<128x128xf32>
    %concatenate3A = tpu.concatenate %slice3A, %slice3A_7 in 0 : vector<19x64x128xf32>, vector<19x64x128xf32> -> vector<38x64x128xf32>
    %dot_general3A_10 = arith.constant dense<0.000000e+00> : vector<38x64x128xf32>
    %dot_general3A_11 = tpu.matmul %concatenate3A, %convert_element_type3A_9, %dot_general3A_10 {dimension_numbers = #tpu.dot_dimension_numbers<[2], [0], [0, 1], [1], [0, 0, 0, 1, 1, 1], [], []>, transpose_lhs_hint = false} : vector<38x64x128xf32>, vector<128x128xf32>, vector<38x64x128xf32> -> vector<38x64x128xf32>
    %slice3A_12 = vector.extract_strided_slice %dot_general3A_11 {offsets = [0, 0, 127], sizes = [38, 64, 1], strides = [1, 1, 1]} : vector<38x64x128xf32> to vector<38x64x1xf32>
    %squeeze3A = vector.shape_cast %slice3A_12 : vector<38x64x1xf32> to vector<38x64xf32>
    %iota3A_13 = tpu.iota {dimensions = array<i32: 0>} : vector<64x64xi32>
    %iota3A_14 = tpu.iota {dimensions = array<i32: 1>} : vector<64x64xi32>
    %lt3A = arith.cmpi slt, %iota3A_13, %iota3A_14 : vector<64x64xi32>
    %convert_element_type3A_15 = arith.extui %lt3A : vector<64x64xi1> to vector<64x64xi32>
    %convert_element_type3A_16 = arith.sitofp %convert_element_type3A_15 : vector<64x64xi32> to vector<64x64xf32>
    %dot_general3A_17 = arith.constant dense<0.000000e+00> : vector<38x64xf32>
    %dot_general3A_18 = tpu.matmul %squeeze3A, %convert_element_type3A_16, %dot_general3A_17 {dimension_numbers = #tpu.dot_dimension_numbers<[1], [0], [0], [1], [0, 0, 1, 1], [], []>, transpose_lhs_hint = false} : vector<38x64xf32>, vector<64x64xf32>, vector<38x64xf32> -> vector<38x64xf32>
    %broadcast_in_dim3A = vector.shape_cast %dot_general3A_18 : vector<38x64xf32> to vector<38x64x1xf32>
    %add3A = vector.broadcast %broadcast_in_dim3A : vector<38x64x1xf32> to vector<38x64x128xf32>
    %add3A_19 = arith.addf %dot_general3A_11, %add3A : vector<38x64x128xf32>
    %slice3A_20 = vector.extract_strided_slice %add3A_19 {offsets = [0, 0, 0], sizes = [19, 64, 128], strides = [1, 1, 1]} : vector<38x64x128xf32> to vector<19x64x128xf32>
    %slice3A_21 = vector.extract_strided_slice %add3A_19 {offsets = [19, 0, 0], sizes = [19, 64, 128], strides = [1, 1, 1]} : vector<38x64x128xf32> to vector<19x64x128xf32>
    %slice3A_22 = vector.extract_strided_slice %slice3A_21 {offsets = [0, 63, 127], sizes = [19, 1, 1], strides = [1, 1, 1]} : vector<19x64x128xf32> to vector<19x1x1xf32>
    %squeeze3A_23 = vector.shape_cast %slice3A_22 : vector<19x1x1xf32> to vector<19xf32>
    %broadcast_in_dim3A_24 = vector.shape_cast %squeeze3A_23 : vector<19xf32> to vector<19x1x1xf32>
    %sub3A = vector.broadcast %broadcast_in_dim3A_24 : vector<19x1x1xf32> to vector<19x64x128xf32>
    %sub3A_25 = arith.subf %sub3A, %slice3A_21 : vector<19x64x128xf32>
    %add3A_26 = vector.broadcast %broadcast_in_dim3A_24 : vector<19x1x1xf32> to vector<19x64x128xf32>
    %add3A_27 = arith.addf %add3A_26, %slice3A_20 : vector<19x64x128xf32>
    %add3A_28 = arith.constant 9.99999997E-7 : f32
    %add3A_29 = vector.broadcast %add3A_28 : f32 to vector<19x64x128xf32>
    %add3A_30 = arith.addf %add3A_27, %add3A_29 : vector<19x64x128xf32>
    %div3A = arith.divf %sub3A_25, %add3A_30 : vector<19x64x128xf32>
    %sub3A_31 = arith.constant 1.000000e+00 : f32
    %sub3A_32 = vector.broadcast %sub3A_31 : f32 to vector<19x64x128xf32>
    %sub3A_33 = arith.subf %sub3A_32, %div3A : vector<19x64x128xf32>
    %reduce_sum3A = arith.constant dense<0.000000e+00> : vector<19xf32>
    %reduce_sum3A_34 = vector.multi_reduction <add>, %sub3A_33, %reduce_sum3A [1, 2] : vector<19x64x128xf32> to vector<19xf32>
    %slice3A_35 = vector.extract_strided_slice %sub3A_33 {offsets = [0, 63, 127], sizes = [19, 1, 1], strides = [1, 1, 1]} : vector<19x64x128xf32> to vector<19x1x1xf32>
    %squeeze3A_36 = vector.shape_cast %slice3A_35 : vector<19x1x1xf32> to vector<19xf32>
    %mul3A = arith.constant 1.22070313E-4 : f32
    %mul3A_37 = vector.broadcast %mul3A : f32 to vector<19xf32>
    %mul3A_38 = arith.mulf %mul3A_37, %reduce_sum3A_34 : vector<19xf32>
    %mul3A_39 = arith.constant 6.10351563E-5 : f32
    %mul3A_40 = vector.broadcast %mul3A_39 : f32 to vector<19xf32>
    %mul3A_41 = arith.mulf %mul3A_40, %squeeze3A_36 : vector<19xf32>
    %sub3A_42 = arith.subf %mul3A_38, %mul3A_41 : vector<19xf32>
    %gt3A = arith.constant 0.000000e+00 : f32
    %gt3A_43 = vector.broadcast %gt3A : f32 to vector<19xf32>
    %gt3A_44 = arith.cmpf ogt, %squeeze3A_23, %gt3A_43 : vector<19xf32>
    %convert_element_type3A_45 = arith.extui %gt3A_44 : vector<19xi1> to vector<19xi32>
    %convert_element_type3A_46 = arith.sitofp %convert_element_type3A_45 : vector<19xi32> to vector<19xf32>
    %mul3A_47 = arith.mulf %sub3A_42, %convert_element_type3A_46 : vector<19xf32>
    %reduce_sum3A_48 = vector.shape_cast %mul3A_47 : vector<19xf32> to vector<1x19xf32>
    %reduce_sum3A_49 = arith.constant dense<0.000000e+00> : vector<1xf32>
    %reduce_sum3A_50 = vector.multi_reduction <add>, %reduce_sum3A_48, %reduce_sum3A_49 [1] : vector<1x19xf32> to vector<1xf32>
    %reduce_sum3A_51 = vector.shape_cast %reduce_sum3A_50 : vector<1xf32> to vector<1x1xf32>
    %reduce_sum3A_52 = vector.extract %reduce_sum3A_51[0, 0] : f32 from vector<1x1xf32>
    %reduce_sum3A_53 = vector.shape_cast %convert_element_type3A_46 : vector<19xf32> to vector<1x19xf32>
    %reduce_sum3A_54 = arith.constant dense<0.000000e+00> : vector<1xf32>
    %reduce_sum3A_55 = vector.multi_reduction <add>, %reduce_sum3A_53, %reduce_sum3A_54 [1] : vector<1x19xf32> to vector<1xf32>
    %reduce_sum3A_56 = vector.shape_cast %reduce_sum3A_55 : vector<1xf32> to vector<1x1xf32>
    %reduce_sum3A_57 = vector.extract %reduce_sum3A_56[0, 0] : f32 from vector<1x1xf32>
    %max3A = arith.constant 1.000000e+00 : f32
    %max3A_58 = arith.maximumf %reduce_sum3A_57, %max3A : f32
    %div3A_59 = arith.divf %reduce_sum3A_52, %max3A_58 : f32
    %reshape3A = vector.broadcast %div3A_59 : f32 to vector<1x1xf32>
    %swap3A = arith.constant 0 : index
    %swap3A_60 = arith.constant 0 : index
    %swap3A_61 = vector.load %arg2[%swap3A, %swap3A_60] : memref<1x1xf32, #tpu.memory_space<vmem>>, vector<1x1xf32>
    tpu.vector_store %arg2[%swap3A, %swap3A_60], %reshape3A {strides = array<i32>} : memref<1x1xf32, #tpu.memory_space<vmem>>, vector<1x1xf32>,
    return
  }
}

module attributes {stable_mosaic.version = 14 : i64} {
  func.func @_bin_kernel(%arg0: i32, %arg1: i32, %arg2: memref<1x19x16x384xf32, #tpu.memory_space<vmem>>, %arg3: memref<1x16x384xi32, #tpu.memory_space<vmem>>, %arg4: memref<19x1x8x384xi32, #tpu.memory_space<vmem>>) attributes {dimension_semantics = [#tpu.dimension_semantics<arbitrary>, #tpu.dimension_semantics<arbitrary>], iteration_bounds = array<i64: 4, 24>, scalar_prefetch = 0 : i64, scratch_operands = 0 : i64, tpu.core_type = #tpu.core_type<tc>, window_params = [{transform_indices = @transform_0, window_bounds = array<i64: 1, 19, 16, 384>}, {transform_indices = @transform_1, window_bounds = array<i64: 1, 16, 384>}, {transform_indices = @transform_2, window_bounds = array<i64: 19, 1, 8, 384>}]} {
    %get3A = arith.constant 0 : index
    %get3A_0 = arith.constant 0 : index
    %get3A_1 = arith.constant 0 : index
    %get3A_2 = arith.constant 0 : index
    %get3A_3 = vector.load %arg2[%get3A, %get3A_0, %get3A_1, %get3A_2] : memref<1x19x16x384xf32, #tpu.memory_space<vmem>>, vector<1x19x16x384xf32>
    %get3A_4 = vector.shape_cast %get3A_3 : vector<1x19x16x384xf32> to vector<19x16x384xf32>
    %get3A_5 = arith.constant 0 : index
    %get3A_6 = arith.constant 0 : index
    %get3A_7 = arith.constant 0 : index
    %get3A_8 = vector.load %arg3[%get3A_5, %get3A_6, %get3A_7] : memref<1x16x384xi32, #tpu.memory_space<vmem>>, vector<1x16x384xi32>
    %get3A_9 = vector.shape_cast %get3A_8 : vector<1x16x384xi32> to vector<16x384xi32>
    %reduce_max3A = arith.constant dense<0xFF800000> : vector<16x384xf32>
    %reduce_max3A_10 = vector.multi_reduction <maximumf>, %get3A_4, %reduce_max3A [0] : vector<19x16x384xf32> to vector<16x384xf32>
    %broadcast_in_dim3A = vector.shape_cast %reduce_max3A_10 : vector<16x384xf32> to vector<1x16x384xf32>
    %sub3A = vector.broadcast %broadcast_in_dim3A : vector<1x16x384xf32> to vector<19x16x384xf32>
    %sub3A_11 = arith.subf %get3A_4, %sub3A : vector<19x16x384xf32>
    %exp3A = math.exp %sub3A_11 : vector<19x16x384xf32>
    %reduce_sum3A = arith.constant dense<0.000000e+00> : vector<16x384xf32>
    %reduce_sum3A_12 = vector.multi_reduction <add>, %exp3A, %reduce_sum3A [0] : vector<19x16x384xf32> to vector<16x384xf32>
    %broadcast_in_dim3A_13 = vector.shape_cast %reduce_sum3A_12 : vector<16x384xf32> to vector<1x16x384xf32>
    %div3A = vector.broadcast %broadcast_in_dim3A_13 : vector<1x16x384xf32> to vector<19x16x384xf32>
    %div3A_14 = arith.divf %exp3A, %div3A : vector<19x16x384xf32>
    %iota3A = tpu.iota {dimensions = array<i32: 0>} : vector<19x16x384xi32>
    %broadcast_in_dim3A_15 = vector.shape_cast %get3A_9 : vector<16x384xi32> to vector<1x16x384xi32>
    %eq3A = vector.broadcast %broadcast_in_dim3A_15 : vector<1x16x384xi32> to vector<19x16x384xi32>
    %eq3A_16 = arith.cmpi eq, %iota3A, %eq3A : vector<19x16x384xi32>
    %sub3A_17 = arith.constant 1.000000e+00 : f32
    %sub3A_18 = vector.broadcast %sub3A_17 : f32 to vector<19x16x384xf32>
    %sub3A_19 = arith.subf %sub3A_18, %div3A_14 : vector<19x16x384xf32>
    %select_n3A = arith.select %eq3A_16, %sub3A_19, %div3A_14 : vector<19x16x384xi1>, vector<19x16x384xf32>
    %mul3A = arith.constant 8.192000e+03 : f32
    %mul3A_20 = vector.broadcast %mul3A : f32 to vector<19x16x384xf32>
    %mul3A_21 = arith.mulf %select_n3A, %mul3A_20 : vector<19x16x384xf32>
    %convert_element_type3A = arith.fptosi %mul3A_21 : vector<19x16x384xf32> to vector<19x16x384xi32>
    %jit3A = arith.constant 0 : i32
    %jit3A_22 = arith.constant 8191 : i32
    %max3A = vector.broadcast %jit3A : i32 to vector<19x16x384xi32>
    %max3A_23 = arith.maxsi %max3A, %convert_element_type3A : vector<19x16x384xi32>
    %min3A = vector.broadcast %jit3A_22 : i32 to vector<19x16x384xi32>
    %min3A_24 = arith.minsi %min3A, %max3A_23 : vector<19x16x384xi32>
    %sub3A_25 = arith.constant 8191 : i32
    %sub3A_26 = vector.broadcast %sub3A_25 : i32 to vector<19x16x384xi32>
    %sub3A_27 = arith.subi %sub3A_26, %min3A_24 : vector<19x16x384xi32>
    %convert_element_type3A_28 = arith.extui %eq3A_16 : vector<19x16x384xi1> to vector<19x16x384xi32>
    %mul3A_29 = arith.constant 8192 : i32
    %mul3A_30 = vector.broadcast %mul3A_29 : i32 to vector<19x16x384xi32>
    %mul3A_31 = arith.muli %convert_element_type3A_28, %mul3A_30 : vector<19x16x384xi32>
    %add3A = arith.addi %sub3A_27, %mul3A_31 : vector<19x16x384xi32>
    %slice3A = vector.extract_strided_slice %add3A {offsets = [0, 0, 0], sizes = [19, 8, 384], strides = [1, 1, 1]} : vector<19x16x384xi32> to vector<19x8x384xi32>
    %slice3A_32 = vector.extract_strided_slice %add3A {offsets = [0, 8, 0], sizes = [19, 8, 384], strides = [1, 1, 1]} : vector<19x16x384xi32> to vector<19x8x384xi32>
    %shift_left3A = arith.constant 16 : i32
    %shift_left3A_33 = vector.broadcast %shift_left3A : i32 to vector<19x8x384xi32>
    %shift_left3A_34 = arith.shli %slice3A_32, %shift_left3A_33 : vector<19x8x384xi32>
    %or3A = arith.ori %slice3A, %shift_left3A_34 : vector<19x8x384xi32>
    %broadcast_in_dim3A_35 = vector.shape_cast %or3A : vector<19x8x384xi32> to vector<19x1x8x384xi32>
    %swap3A = arith.constant 0 : index
    %swap3A_36 = arith.constant 0 : index
    %swap3A_37 = arith.constant 0 : index
    %swap3A_38 = arith.constant 0 : index
    %swap3A_39 = vector.load %arg4[%swap3A, %swap3A_36, %swap3A_37, %swap3A_38] : memref<19x1x8x384xi32, #tpu.memory_space<vmem>>, vector<19x1x8x384xi32>
    tpu.vector_store %arg4[%swap3A, %swap3A_36, %swap3A_37, %swap3A_38], %broadcast_in_dim3A_35 {strides = array<i32>} : memref<19x1x8x384xi32, #tpu.memory_space<vmem>>, vector<19x1x8x384xi32>,
    return
  }
  func.func @transform_0(%arg0: i32, %arg1: i32) -> (i32, i32, i32, i32) {
    %c0_i32 = arith.constant 0 : i32
    %c0_i32_0 = arith.constant 0 : i32
    %c0_i32_1 = arith.constant 0 : i32
    return %arg0, %c0_i32, %arg1, %c0_i32_0 : i32, i32, i32, i32
  }
  func.func @transform_1(%arg0: i32, %arg1: i32) -> (i32, i32, i32) {
    %c0_i32 = arith.constant 0 : i32
    %c0_i32_0 = arith.constant 0 : i32
    return %arg0, %arg1, %c0_i32 : i32, i32, i32
  }
  func.func @transform_2(%arg0: i32, %arg1: i32) -> (i32, i32, i32, i32) {
    %c0_i32 = arith.constant 0 : i32
    %c0_i32_0 = arith.constant 0 : i32
    %c0_i32_1 = arith.constant 0 : i32
    return %c0_i32, %arg0, %arg1, %c0_i32_0 : i32, i32, i32, i32
  }
}

</mosaic_0001>

<sc_bundles>
// kernel: kernel.5.cloned.1.call-start
scs
__scs_entry_jumppad:
0x0: {  	(pc) =	sbr.rel $0x88, $3  }
0x1: {  	(tag) =	ssettag $0x0;
	lr =	simm.s32 $0x1  }
0x2: {  	[smem:$0x3F9F] =	sst lr;
	_ =	strace $0xD0000000  }
0x3: {  	_ = 	snop  }
0x4: {  	_ = 	snop  }
0x5: {  	_ = 	snop  }
0x6: {  	_ = 	snop  }
0x7: {  	_ = 	snop  }
__scs_overlays_trampoline_lowered:
0x8: {  	[smem:$0x3FAE] =	sst s0  }
0x9: {  	[smem:$0x3FAF] =	sst s1  }
0xa: {  	[smem:$0x3FB0] =	sst s2  }
0xb: {  	[smem:$0x3FB1] =	sst s3  }
0xc: {  	[smem:$0x3FB2] =	sst s4  }
0xd: {  	[smem:$0x3FB3] =	sst s5  }
0xe: {  	[smem:$0x3FB4] =	sst s6  }
0xf: {  	[smem:$0x3FB5] =	sst s7  }
0x10: {  	[smem:$0x3FB6] =	sst s8  }
0x11: {  	[smem:$0x3FB7] =	sst s9;
	s0 =	simm.s32 @!p0 $0x0  }
0x12: {  	s1 =	sld [smem:$0x3F9D];
	s0 =	simm.s32 @p0 $0x1  }
0x13: {  	[smem:$0x3FB8] =	sst s0;
	s0 =	simm.s32 @!p1 $0x0  }
0x14: {  	s2 =	sld [smem:$0x3F9C];
	s0 =	simm.s32 @p1 $0x1  }
0x15: {  	[smem:$0x3FB9] =	sst s0;
	s0 =	simm.s32 @!p2 $0x0  }
0x16: {  	s3 =	sld [smem:$0x3FDB];
	s0 =	simm.s32 @p2 $0x1  }
0x17: {  	s4 =	simm.s32 $0x1BF5;
	[smem:$0x3FBB] =	sst s0  }
0x18: {  	s0 =	sld [smem:$0x3F9E];
	_ =	swait.ge [sflag:s4], $0x0  }
0x19: {  	s7 =	sld [smem:$0x3F9F]  }
0x1a: {  	s8 =	sadd.s32 $0xFFFFE003, lr  }
0x1b: {  	s9 =	sadd.s32 $0xFFFFFEF7, lr;
	s5 =	simm.s32 $0xFFFFFFFF;
	p2 =	slt.u32 s8, $0xFFFFF086  }
0x1c: {  	p1 =	slt.u32 s9, $0xF7A;
	s5 =	simm.s32 @!p2 $0x0  }
0x1d: {  	s5 =	simm.s32 @p1 $0x1;
	p0 =	seq.s32 s7, s2  }
0x1e: {  	s7 =	smul.u32 @!p0 $0xF7A, s2;
	p2 =	seq.s32 @!p0 s5, $0x0  }
0x1f: {  	s9 =	smul.u32 $0xF7A, s1;
	s8 =	simm.s32 @!p0 $0x1BF5;
	p2 =	por !p2, p0  }
0x20: {  	[sflag:s8] =	ssyncset.s32 @!p0 $0xFFFFF086;
	s6 =	sadd.s32 @!p0 s3, s7;
	s7 =	simm.s32 @!p0 $0x108  }
0x21: {  	s3 =	sadd.s32 s3, s9;
	s6 =	sadd.s32 @!p0 $0x88, s6;
	s7 =	simm.s32 @p2 $0x1082  }
0x22: {  	[simem:s7], [sflag:s8] =	dma.local @!p0 [hbm:s6], $0xF7A  }
0x23: {  	s9 =	sor.u32 $0xD0000000, s2;
	s6 =	simm.s32 $0x108;
	_ =	swait.ge @!p0 [sflag:s8], $0x0  }
0x24: {  	s3 =	sadd.s32 $0x88, s3;
	s6 =	simm.s32 @!p1 $0x1082;
	[sflag:s4] =	ssyncset.s32 $0xFFFFF086  }
0x25: {  	[simem:s6], [sflag:s4] =	dma.local [hbm:s3], $0xF7A  }
0x26: {  	[smem:$0x3F9F] =	sst s1;
	(tag) =	ssettag s2;
	_ =	strace s9  }
0x27: {  	s1 =	sld [smem:$0x3FAF]  }
0x28: {  	s2 =	sld [smem:$0x3FB0]  }
0x29: {  	s4 =	sld [smem:$0x3FB2]  }
0x2a: {  	p0 =	seq.s32 s5, $0x0;
	s5 =	sld [smem:$0x3FB3]  }
0x2b: {  	s6 =	sld [smem:$0x3FB4]  }
0x2c: {  	s7 =	sld [smem:$0x3FB5]  }
0x2d: {  	s3 =	simm.s32 $0x108;
	s8 =	sld [smem:$0x3FB6]  }
0x2e: {  	s3 =	simm.s32 @!p0 $0x1082;
	s9 =	sld [smem:$0x3FB7]  }
0x2f: {  	lr =	sadd.s32 s0, s3;
	s0 =	sld [smem:$0x3FAE]  }
0x30: {  	s3 =	sld [smem:$0x3FB1]  }
0x31: {  	[smem:$0x3FBA] =	sst s10  }
0x32: {  	s10 =	sld [smem:$0x3FB8];
	_ =	sdelay $0x3  }
0x33: {  	p0 =	seq.s32 s10, $0x1;
	s10 =	sld [smem:$0x3FBA];
	_ =	sdelay $0x3  }
0x34: {  	[smem:$0x3FBA] =	sst s10  }
0x35: {  	s10 =	sld [smem:$0x3FB9];
	_ =	sdelay $0x3  }
0x36: {  	p1 =	seq.s32 s10, $0x1;
	s10 =	sld [smem:$0x3FBA];
	_ =	sdelay $0x3  }
0x37: {  	[smem:$0x3FBA] =	sst s10  }
0x38: {  	s10 =	sld [smem:$0x3FBB]  }
0x39: {  	_ = 	snop;
	(pc) =	sbr.ind lr, $3  }
0x3a: {  	_ = 	snop  }
0x3b: {  	_ = 	snop  }
0x3c: {  	p2 =	seq.s32 s10, $0x1;
	s10 =	sld [smem:$0x3FBA]  }
0x3d: {  	_ =	shalt  }
0x3e: {  	_ =	shalt  }
0x3f: {  	_ =	shalt  }
0x40: {  	_ =	shalt  }
0x41: {  	_ =	shalt  }
0x42: {  	_ =	shalt  }
0x43: {  	_ =	shalt  }
0x44: {  	_ =	shalt  }
0x45: {  	_ =	shalt  }
0x46: {  	_ =	shalt  }
0x47: {  	_ =	shalt  }
0x48: {  	_ =	shalt  }
0x49: {  	_ =	shalt  }
0x4a: {  	_ =	shalt  }
0x4b: {  	_ =	shalt  }
0x4c: {  	_ =	shalt  }
0x4d: {  	_ =	shalt  }
0x4e: {  	_ =	shalt  }
0x4f: {  	_ =	shalt  }
0x50: {  	_ =	shalt  }
0x51: {  	_ =	shalt  }
0x52: {  	_ =	shalt  }
0x53: {  	_ =	shalt  }
0x54: {  	_ =	shalt  }
0x55: {  	_ =	shalt  }
0x56: {  	_ =	shalt  }
0x57: {  	_ =	shalt  }
0x58: {  	_ =	shalt  }
0x59: {  	_ =	shalt  }
0x5a: {  	_ =	shalt  }
0x5b: {  	_ =	shalt  }
0x5c: {  	_ =	shalt  }
0x5d: {  	_ =	shalt  }
0x5e: {  	_ =	shalt  }
0x5f: {  	_ =	shalt  }
0x60: {  	_ =	shalt  }
0x61: {  	_ =	shalt  }
0x62: {  	_ =	shalt  }
0x63: {  	_ =	shalt  }
0x64: {  	_ =	shalt  }
0x65: {  	_ =	shalt  }
0x66: {  	_ =	shalt  }
0x67: {  	_ =	shalt  }
0x68: {  	_ =	shalt  }
0x69: {  	_ =	shalt  }
0x6a: {  	_ =	shalt  }
0x6b: {  	_ =	shalt  }
0x6c: {  	_ =	shalt  }
0x6d: {  	_ =	shalt  }
0x6e: {  	_ =	shalt  }
0x6f: {  	_ =	shalt  }
0x70: {  	_ =	shalt  }
0x71: {  	_ =	shalt  }
0x72: {  	_ =	shalt  }
0x73: {  	_ =	shalt  }
0x74: {  	_ =	shalt  }
0x75: {  	_ =	shalt  }
0x76: {  	_ =	shalt  }
0x77: {  	_ =	shalt  }
0x78: {  	_ =	shalt  }
0x79: {  	_ =	shalt  }
0x7a: {  	_ =	shalt  }
0x7b: {  	_ =	shalt  }
0x7c: {  	_ =	shalt  }
0x7d: {  	_ =	shalt  }
0x7e: {  	_ =	shalt  }
0x7f: {  	_ =	shalt  }
0x80: {  	_ =	shalt  }
0x81: {  	_ =	shalt  }
0x82: {  	_ =	shalt  }
0x83: {  	_ =	shalt  }
0x84: {  	_ =	shalt  }
0x85: {  	_ =	shalt  }
0x86: {  	_ =	shalt  }
0x87: {  	_ =	shalt  }
.Lfunc_end0:
.L_simem_size_0:
called_computation_lowered:
.L_overlay_start_0:
0x88: {  	s2 =	sld [smem:$0x3FD9]  }
0x89: {  	s3 =	sld [smem:$0x3FFE];
	_ =	sdelay $0x1  }
0x8a: {  	s1 =	srdreg.scid  }
0x8b: {  	s0 =	sand.u32 $0x1, s1  }
0x8c: {  	s16 =	sshll.u32 s0, $0xA;
	s2 =	sadd.s32 s3, s2  }
0x8d: {  	s2 =	sadd.s32 s2, s16  }
0x8e: {  	[smem:$0x3FC6] =	sst s2  }
0x8f: {  	_ = 	snop  }
0x90: {  	(tm) =	ssettm $0x1  }
0x91: {  	s17 =	sld [smem:$0x3FFB];
	_ =	sdelay $0x3  }
0x92: {  	_ =	strace s17  }
0x93: {  	s2 =	sld [smem:$0x3FFC];
	_ =	sdelay $0x3  }
0x94: {  	_ =	strace s2  }
0x95: {  	s2 =	sld [smem:$0x3FFD];
	_ =	sdelay $0x3  }
0x96: {  	_ =	strace s2  }
0x97: {  	_ =	strace $0x8FFFFFFF  }
0x98: {  	s18 =	sld [smem:$0x3FDB];
	_ =	sdelay $0x1  }
0x99: {  	s19 =	simm.s32 $_scs_section_size  }
0x9a: {  	s4 =	simm.s32 $_size__tile_overlayer_lowered;
	s5 =	simm.s32 $_tile_overlayer_lowered  }
0x9b: {  	s22 =	simm.s32 $0x1BFF;
	s21 =	sshll.u32 s5, $0x1;
	s2 =	sadd.s32 s19, s18  }
0x9c: {  	s6 =	simm.s32 $0x0;
	s20 =	sshll.u32 s4, $0x1;
	s4 =	sadd.s32 s21, s2  }
0x9d: {  	[timem:s6], [sflag:s22] =	dma.local [hbm:s4], s20  }
0x9e: {  	_ =	swait.ge [sflag:s22], s20  }
0x9f: {  	s3 =	ssub.s32 $0x0, s20;
	[sflag:s22] =	ssyncset.done $0x0  }
0xa0: {  	[sflag:s22] =	ssyncadd.s32 s3;
	_ =	sdelay $0x1  }
0xa1: {  	s23 =	simm.s32 $0x1B8B  }
0xa2: {  	_ =	swait.ge [sflag:s23], $0x1  }
0xa3: {  	[sflag:s23] =	ssyncset.done $0x0  }
0xa4: {  	s25 =	simm.s32 $0x1B8E;
	s24 =	sld [smem:$0x3FFE];
	[sflag:s23] =	ssyncadd.s32 $0xFFFFFFFF  }
0xa5: {  	s26 =	simm.s32 $execute0_lowered;
	[smem:$0x3FD2] =	sst s25  }
0xa6: {  	s4 =	sshll.u32 s26, $0x1;
	_ =	strace $0x80000046;
	[dreg:$0x1] =	wrdreg $0xFFFFFFFF  }
0xa7: {  	s28 =	simm.s32 $_size_execute0_lowered;
	s2 =	sadd.s32 s2, s4;
	[dreg:$0x0] =	wrdreg $0x0  }
0xa8: {  	s4 =	sshll.u32 s28, $0x1;
	[dreg:$0x2] =	wrdreg s2  }
0xa9: {  	[dreg:$0x3] =	wrdreg s4  }
0xaa: {  	[dreg:$0x4] =	wrdreg $0xC0  }
0xab: {  	_ =	task [dreg:s6], $0x5FFFF  }
0xac: {  	[dreg:$0x1] =	wrdreg $0xFFFFFFFF  }
0xad: {  	[dreg:$0x0] =	wrdreg $0x60  }
0xae: {  	[dreg:$0x2] =	wrdreg s24  }
0xaf: {  	[dreg:$0x3] =	wrdreg $0x9  }
0xb0: {  	_ =	task.clear_ibuf [dreg:s6], $0x4FFFF;
	_ =	strace $0x90000046  }
0xb1: {  	s29 =	simm.s32 $0x9;
	_ =	strace $0x80000048  }
0xb2: {  	_ =	swait.ge [sflag:s29], $0x1  }
0xb3: {  	[sflag:s29] =	ssyncadd.s32 $0xFFFFFFFF  }
0xb4: {  	_ =	strace $0x90000048  }
0xb5: {  	_ =	sfence  }
0xb6: {  	s30 =	sld [smem:$0x0];
	_ =	sdelay $0x2  }
0xb7: {  	s31 =	sshll.u32 s1, $0xD;
	s1 =	sshrl.u32 s1, $0x2  }
0xb8: {  	s3 =	sand.u32 $0x4000, s31;
	s1 =	sadd.s32 s1, s30  }
0xb9: {  	s0 =	sor.u32 s3, s0;
	s1 =	sshll.u32 s1, $0x11  }
0xba: {  	s0 =	sor.u32 s1, s0  }
0xbb: {  	s0 =	sadd.s32 $0x8F2B, s0  }
0xbc: {  	[sflag:s0] =	ssyncadd.remote.s32 $0x1  }
0xbd: {  	_ =	sfence.sel $0xFFFF  }
0xbe: {  	[dreg:$0x0] =	wrdreg $0xFFFFFFFF;
	(pc) =	sbr.abs _section_cstart, $3  }
0xbf: {  	[dreg:$0x1] =	wrdreg $0xFFFFFFFF  }
0xc0: {  	_ =	task.clear_ibuf [dreg:s6], $0x2FFFF;
	_ =	strace $0x9FFFFFFF  }
0xc1: {  	(tm) =	ssettm $0x7FFFFFFF  }
tec
execute0_lowered:
.L_overlay_start_1:
0x0: {  	(tag) =	ssettag $0x1  }
0x1: {  	s1 =	srdreg.scid  }
0x2: {  	s0 =	stileid.u32;
	s6 =	rddreg [dreg:$0x0];
	s3 =	simm.s32 $0x1  }
0x3: {  	s2 =	simm.s32 $0x0;
	s8 =	simm.s32 $0x24000;
	s13 =	simm.s32 $0xA000  }
0x4: {  	s14 =	simm.s32 $0x4000;
	s15 =	simm.s32 $0x2;
	s16 =	simm.s32 $0x80  }
0x5: {  	s17 =	simm.s32 $0x100;
	s4 =	sand.u32 $0x1, s1;
	s30 =	sshll.u32 s0, $0x1  }
0x6: {  	s18 =	simm.s32 $0x3;
	s19 =	simm.s32 $0x0;
	s5 =	sor.u32 s4, s30  }
0x7: {  	[smem:$0x7FF] =	sst s2;
	p0 =	seq.s32 s4, $0x1;
	p1 =	seq.s32 s5, $0x0  }
0x8: {  	s1 =	rddreg [dreg:$0x1];
	_ =	strace $0x80000047;
	p1 =	por !p1, !p0  }
0x9: {  	s4 =	ssub.s32 $0x2, s4;
	s9 =	smul.u32 $0x48000, s5;
	p1 =	por !p1, !p1  }
0xa: {  	s5 =	sshll.u32 s5, $0xC;
	s10 =	sshrl.u32 s4, $0x1;
	s3 =	simm.s32 @!p1 $0x0  }
0xb: {  	s8 =	simm.s32 @!p0 $0x0;
	p0 =	slt.u32 s0, $0xD;
	s7 =	ssub.s32 s0, s3  }
0xc: {  	s11 =	sadd.s32 s5, s6;
	s5 =	simm.s32 $0x9;
	s7 =	smul.u32 $0x48000, s7  }
0xd: {  	s12 =	ssub.s32 s4, s10;
	s4 =	simm.s32 $0x1;
	s5 =	simm.s32 @!p0 $0x12  }
0xe: {  	s10 =	sadd.s32 $0x810, s11;
	s7 =	sadd.s32 s8, s7;
	s8 =	sadd.s32 $0xFFC58000, s9  }
0xf: {  	s3 =	sadd.s32 $0xAB800, s6;
	s9 =	sadd.s32 $0x800, s11;
	s8 =	smov.u32 @p0 s7  }
0x10: {  	s11 =	smax.u32 s12, $0x1;
	s12 =	simm.s32 $0x8000;
	s31 =	sshrl.u32 s8, $0x3  }
0x11: {  	v0 =	vimm.f32 $0.0e+00;
	v1 =	vimm.f32 $1.000000000e+00;
	s7 =	sor.u32 $0x2000, s8;
	s8 =	sadd.s32 $0x4000, s8;
	s6 =	sadd.s32 s3, s31  }
.LBB2_1:
0x12: {  	s20 =	simm.s32 $0x40;
	s21 =	simm.s32 $0x0  }
.LBB2_2:
0x13: {  	p0 =	sne.s32 s20, $0xFFC0;
	[tilespmem:s21+$0x0] =	vst v0;
	s22 =	smov.u32 s20;
	s20 =	sadd.s32 $0x40, s20  }
.Ltmp0:
0x14: {  	[tilespmem:s21+$0x4000] =	vst v0;
	(pc) =	sbr.rel @p0 .LBB2_2-.Ltmp0, $2  }
0x15: {  	_ =	sdelay $0x2  }
0x16: {  	s21 =	sshra.s32 s22, $0x2  }
0x17: {  	[tilespmem:s21+$0x0] =	vst v0  }
0x18: {  	[tilespmem:s21+$0x4000] =	vst v0;
	s20 =	simm.s32 $0x0;
	s21 =	simm.s32 $0x0  }
0x19: {  	[tilespmem:s12], [sflag:$0x1] =	stream.linear.gather [hbm4b:s6+s20], $0x2000, $0x38;
	[tilespmem:$0xC000] =	vst v63  }
.LBB2_5:
0x1a: {  	s22 =	sshll.u32 s21, $0xE  }
0x1b: {  	_ =	swait.ge [sflag:s4], $0x2000;
	s23 =	sadd.s32 s22, s7  }
0x1c: {  	[sflag:s4] =	ssyncset.done $0x0;
	s23 =	sshrl.u32 s23, $0x3  }
0x1d: {  	[sflag:s4] =	ssyncadd.s32 $0xFFFFE000;
	s23 =	sadd.s32 s3, s23  }
0x1e: {  	[tilespmem:s13], [sflag:$0x2] =	stream.linear.gather [hbm4b:s23+s20], $0x2000, $0x38;
	[tilespmem:$0xC000] =	vst v63  }
0x1f: {  	s23 =	simm.s32 $0x0  }
.LBB2_6:
0x20: {  	s24 =	sshra.s32 s23, $0x2  }
0x21: {  	v2 =	vld [tilespmem:s24+$0x8000];
	_ =	sdelay $0x4  }
0x22: {  	v3 =	vand.u32 $0xFFFF, v2  }
0x23: {  	v2 =	vshrl.u32 v2, $0x10;
	_ =	sdelay $0x3  }
0x24: {  	[tilespmem:v3+s2+$0x0] =	vst.idx.add.f32.msk $0xffff, v1  }
0x25: {  	[tilespmem:v2+s14+$0x0] =	vst.idx.add.f32.msk $0xffff, v1  }
0x26: {  	v2 =	vld [tilespmem:s24+$0x8010];
	_ =	sdelay $0x4  }
0x27: {  	v3 =	vand.u32 $0xFFFF, v2  }
0x28: {  	v2 =	vshrl.u32 v2, $0x10;
	_ =	sdelay $0x3  }
0x29: {  	[tilespmem:v3+s2+$0x0] =	vst.idx.add.f32.msk $0xffff, v1  }
0x2a: {  	[tilespmem:v2+s14+$0x0] =	vst.idx.add.f32.msk $0xffff, v1  }
0x2b: {  	v2 =	vld [tilespmem:s24+$0x8020];
	_ =	sdelay $0x4  }
0x2c: {  	v3 =	vand.u32 $0xFFFF, v2  }
0x2d: {  	v2 =	vshrl.u32 v2, $0x10;
	_ =	sdelay $0x3  }
0x2e: {  	[tilespmem:v3+s2+$0x0] =	vst.idx.add.f32.msk $0xffff, v1  }
0x2f: {  	[tilespmem:v2+s14+$0x0] =	vst.idx.add.f32.msk $0xffff, v1  }
0x30: {  	v2 =	vld [tilespmem:s24+$0x8030];
	_ =	sdelay $0x4  }
0x31: {  	v3 =	vand.u32 $0xFFFF, v2  }
0x32: {  	v2 =	vshrl.u32 v2, $0x10;
	_ =	sdelay $0x3  }
0x33: {  	[tilespmem:v3+s2+$0x0] =	vst.idx.add.f32.msk $0xffff, v1  }
0x34: {  	[tilespmem:v2+s14+$0x0] =	vst.idx.add.f32.msk $0xffff, v1  }
0x35: {  	v2 =	vld [tilespmem:s24+$0x8040];
	_ =	sdelay $0x4  }
0x36: {  	v3 =	vand.u32 $0xFFFF, v2  }
0x37: {  	v2 =	vshrl.u32 v2, $0x10;
	_ =	sdelay $0x3  }
0x38: {  	[tilespmem:v3+s2+$0x0] =	vst.idx.add.f32.msk $0xffff, v1  }
0x39: {  	[tilespmem:v2+s14+$0x0] =	vst.idx.add.f32.msk $0xffff, v1  }
0x3a: {  	v2 =	vld [tilespmem:s24+$0x8050];
	_ =	sdelay $0x4  }
0x3b: {  	v3 =	vand.u32 $0xFFFF, v2  }
0x3c: {  	v2 =	vshrl.u32 v2, $0x10;
	_ =	sdelay $0x3  }
0x3d: {  	[tilespmem:v3+s2+$0x0] =	vst.idx.add.f32.msk $0xffff, v1  }
0x3e: {  	[tilespmem:v2+s14+$0x0] =	vst.idx.add.f32.msk $0xffff, v1  }
0x3f: {  	v2 =	vld [tilespmem:s24+$0x8060];
	_ =	sdelay $0x4  }
0x40: {  	v3 =	vand.u32 $0xFFFF, v2  }
0x41: {  	v2 =	vshrl.u32 v2, $0x10;
	_ =	sdelay $0x3  }
0x42: {  	[tilespmem:v3+s2+$0x0] =	vst.idx.add.f32.msk $0xffff, v1  }
0x43: {  	[tilespmem:v2+s14+$0x0] =	vst.idx.add.f32.msk $0xffff, v1  }
0x44: {  	v2 =	vld [tilespmem:s24+$0x8070];
	_ =	sdelay $0x4  }
0x45: {  	v3 =	vand.u32 $0xFFFF, v2  }
0x46: {  	p0 =	sne.s32 s23, $0x7E00;
	v2 =	vshrl.u32 v2, $0x10  }
.Ltmp1:
0x47: {  	_ = 	snop;
	(pc) =	sbr.rel @p0 .LBB2_6-.Ltmp1, $3  }
0x48: {  	_ =	sdelay $0x1  }
0x49: {  	[tilespmem:v3+s2+$0x0] =	vst.idx.add.f32.msk $0xffff, v1  }
0x4a: {  	s23 =	sadd.s32 $0x200, s23;
	[tilespmem:v2+s14+$0x0] =	vst.idx.add.f32.msk $0xffff, v1  }
0x4b: {  	s21 =	sadd.s32 $0x1, s21  }
0x4c: {  	_ =	swait.ge [sflag:s15], $0x2000;
	p0 =	sge.u32 s21, s5  }
0x4d: {  	[sflag:s15] =	ssyncset.done $0x0;
	s22 =	sadd.s32 @!p0 s22, s8  }
0x4e: {  	[sflag:s15] =	ssyncadd.s32 $0xFFFFE000;
	s22 =	sshrl.u32 @!p0 s22, $0x3  }
0x4f: {  	s23 =	simm.s32 @!p0 $0x0;
	s24 =	simm.s32 @!p0 $0x8000;
	s22 =	sadd.s32 @!p0 s3, s22  }
0x50: {  	[tilespmem:s24], [sflag:$0x1] =	stream.linear.gather @!p0 [hbm4b:s22+s23], $0x2000, $0x38;
	[tilespmem:$0xC000] =	vst v63  }
0x51: {  	s22 =	simm.s32 $0x0  }
.LBB2_8:
0x52: {  	s23 =	sshra.s32 s22, $0x2  }
0x53: {  	v2 =	vld [tilespmem:s23+$0xA000];
	_ =	sdelay $0x4  }
0x54: {  	v3 =	vand.u32 $0xFFFF, v2  }
0x55: {  	v2 =	vshrl.u32 v2, $0x10;
	_ =	sdelay $0x3  }
0x56: {  	[tilespmem:v3+s2+$0x0] =	vst.idx.add.f32.msk $0xffff, v1  }
0x57: {  	[tilespmem:v2+s14+$0x0] =	vst.idx.add.f32.msk $0xffff, v1  }
0x58: {  	v2 =	vld [tilespmem:s23+$0xA010];
	_ =	sdelay $0x4  }
0x59: {  	v3 =	vand.u32 $0xFFFF, v2  }
0x5a: {  	v2 =	vshrl.u32 v2, $0x10;
	_ =	sdelay $0x3  }
0x5b: {  	[tilespmem:v3+s2+$0x0] =	vst.idx.add.f32.msk $0xffff, v1  }
0x5c: {  	[tilespmem:v2+s14+$0x0] =	vst.idx.add.f32.msk $0xffff, v1  }
0x5d: {  	v2 =	vld [tilespmem:s23+$0xA020];
	_ =	sdelay $0x4  }
0x5e: {  	v3 =	vand.u32 $0xFFFF, v2  }
0x5f: {  	v2 =	vshrl.u32 v2, $0x10;
	_ =	sdelay $0x3  }
0x60: {  	[tilespmem:v3+s2+$0x0] =	vst.idx.add.f32.msk $0xffff, v1  }
0x61: {  	[tilespmem:v2+s14+$0x0] =	vst.idx.add.f32.msk $0xffff, v1  }
0x62: {  	v2 =	vld [tilespmem:s23+$0xA030];
	_ =	sdelay $0x4  }
0x63: {  	v3 =	vand.u32 $0xFFFF, v2  }
0x64: {  	v2 =	vshrl.u32 v2, $0x10;
	_ =	sdelay $0x3  }
0x65: {  	[tilespmem:v3+s2+$0x0] =	vst.idx.add.f32.msk $0xffff, v1  }
0x66: {  	[tilespmem:v2+s14+$0x0] =	vst.idx.add.f32.msk $0xffff, v1  }
0x67: {  	v2 =	vld [tilespmem:s23+$0xA040];
	_ =	sdelay $0x4  }
0x68: {  	v3 =	vand.u32 $0xFFFF, v2  }
0x69: {  	v2 =	vshrl.u32 v2, $0x10;
	_ =	sdelay $0x3  }
0x6a: {  	[tilespmem:v3+s2+$0x0] =	vst.idx.add.f32.msk $0xffff, v1  }
0x6b: {  	[tilespmem:v2+s14+$0x0] =	vst.idx.add.f32.msk $0xffff, v1  }
0x6c: {  	v2 =	vld [tilespmem:s23+$0xA050];
	_ =	sdelay $0x4  }
0x6d: {  	v3 =	vand.u32 $0xFFFF, v2  }
0x6e: {  	v2 =	vshrl.u32 v2, $0x10;
	_ =	sdelay $0x3  }
0x6f: {  	[tilespmem:v3+s2+$0x0] =	vst.idx.add.f32.msk $0xffff, v1  }
0x70: {  	[tilespmem:v2+s14+$0x0] =	vst.idx.add.f32.msk $0xffff, v1  }
0x71: {  	v2 =	vld [tilespmem:s23+$0xA060];
	_ =	sdelay $0x4  }
0x72: {  	v3 =	vand.u32 $0xFFFF, v2  }
0x73: {  	v2 =	vshrl.u32 v2, $0x10;
	_ =	sdelay $0x3  }
0x74: {  	[tilespmem:v3+s2+$0x0] =	vst.idx.add.f32.msk $0xffff, v1  }
0x75: {  	[tilespmem:v2+s14+$0x0] =	vst.idx.add.f32.msk $0xffff, v1  }
0x76: {  	v2 =	vld [tilespmem:s23+$0xA070];
	_ =	sdelay $0x4  }
0x77: {  	v3 =	vand.u32 $0xFFFF, v2  }
0x78: {  	p0 =	seq.s32 s22, $0x7E00;
	v2 =	vshrl.u32 v2, $0x10  }
.Ltmp2:
0x79: {  	_ = 	snop;
	(pc) =	sbr.rel @!p0 .LBB2_8-.Ltmp2, $3  }
0x7a: {  	_ =	sdelay $0x1  }
0x7b: {  	[tilespmem:v3+s2+$0x0] =	vst.idx.add.f32.msk $0xffff, v1  }
0x7c: {  	s22 =	sadd.s32 $0x200, s22;
	[tilespmem:v2+s14+$0x0] =	vst.idx.add.f32.msk $0xffff, v1  }
0x7d: {  	p0 =	seq.s32 s21, s5  }
.Ltmp3:
0x7e: {  	_ = 	snop;
	(pc) =	sbr.rel @!p0 .LBB2_5-.Ltmp3, $1  }
0x7f: {  	_ =	sdelay $0x3  }
0x80: {  	[hbm4b:s9+s16] =	stream.strided.scatter [tilespmem:s2], [sflag:$0x3], $0x4000, s17, s16, $0x38;
	[tilespmem:$0xC000] =	vst v63  }
0x81: {  	s19 =	sadd.s32 $0x1, s19;
	_ =	swait.ge [sflag:s18], $0x4000  }
0x82: {  	p0 =	sne.s32 s19, s11;
	[sflag:s18] =	ssyncset.done $0x0  }
.Ltmp4:
0x83: {  	[sflag:s18] =	ssyncadd.s32 $0xFFFFC000;
	(pc) =	sbr.rel @p0 .LBB2_1-.Ltmp4, $4  }
0x84: {  	[hbm4b:s10+s16] =	stream.strided.scatter [tilespmem:s14], [sflag:$0x3], $0x4000, s17, s16, $0x38;
	[tilespmem:$0xC000] =	vst v63  }
0x85: {  	_ =	swait.ge [sflag:s18], $0x4000  }
0x86: {  	[sflag:s18] =	ssyncset.done $0x0  }
0x87: {  	[sflag:s18] =	ssyncadd.s32 $0xFFFFC000  }
0x88: {  	_ =	sfence.sel $0x180000  }
0x89: {  	[bflag:$0x0] =	sbarrier.arrive $0xFFFF  }
0x8a: {  	p0 =	sne.s32 s0, $0x0;
	_ =	strace $0x90000047  }
0x8b: {  	s0 =	sadd.s32 @!p0 $0x100000, s1;
	[bflag:$0x2] =	sbarrier.arrive $0xFFFF  }
0x8c: {  	[sflag:s0] =	ssyncadd.tile.s32 @!p0 $0x1;
	_ =	shalt  }
.Lfunc_end2:
_tile_overlayer_lowered:
.L_overlay_start_2:
0x8d: {  	(tag) =	ssettag $0x2  }
0x8e: {  	s0 =	rddreg [dreg:$0x0];
	s2 =	stileid.u32  }
0x8f: {  	s1 =	rddreg [dreg:$0x1];
	p0 =	sne.s32 s2, $0x0  }
0x90: {  	s3 =	rddreg [dreg:$0x2];
	[bflag:$0x3] =	sbarrier.arrive $0xFFFF;
	s2 =	simm.s32 @!p0 $0x1C03  }
0x91: {  	[timem:s3], [sflag:s2] =	dma.local @!p0 [hbm:s0], s1  }
0x92: {  	s0 =	simm.s32 @!p0 $0x3  }
0x93: {  	_ =	swait.ge @!p0 [sflag:s0], s1  }
0x94: {  	s1 =	ssub.s32 @!p0 $0x0, s1;
	[sflag:s0] =	ssyncset.done @!p0 $0x0  }
0x95: {  	[sflag:s0] =	ssyncadd.s32 @!p0 s1  }
0x96: {  	[bflag:$0x3] =	sbarrier.arrive $0xFFFF  }
0x97: {  	_ =	shalt  }

</sc_bundles>
